<compile_context>
chip_gen: v7x
topology: tpu7x:2x2x1
jax: 0.10.2.dev20260603
libtpu: 0.0.44.dev20260713+nightly
codegen_flags: <defaults>
</compile_context>

<pallas_src>
import functools

import jax
import jax.numpy as jnp
from jax import lax
from jax.experimental import pallas as pl
from jax.experimental.pallas import tpu as pltpu
from jax.experimental.pallas import tpu_sc as plsc

N = 10000
F = 128
E = 320000

NC = 2
NS = 16
NW = NC * NS

BE = 128
E_PAD = 327680
NB_TOT = E_PAD // BE
NB_C0 = 152
NB_C1 = 8
CH = 8

N_PAD = 10240
INIT_RPT = N_PAD // NS
OUT_RPT = N_PAD // NS

HIST = 10240

_mesh = plsc.VectorSubcoreMesh(core_axis_name="c", subcore_axis_name="s")


@functools.partial(
    pl.kernel,
    out_type=jax.ShapeDtypeStruct((NW * HIST,), jnp.float32),
    mesh=_mesh,
    scratch_types=[
        pltpu.VMEM((HIST,), jnp.float32),
        pltpu.VMEM((E // NW,), jnp.int32),
    ],
    compiler_params=pltpu.CompilerParams(needs_layout_passes=False),
)
def _deg_kernel(dst_hbm, zeros_hbm, out_hbm, hist_v, dst_v):
    c = lax.axis_index("c")
    s = lax.axis_index("s")
    wid = c * NS + s

    pltpu.sync_copy(zeros_hbm, hist_v)

    pltpu.sync_copy(dst_hbm.at[pl.ds(wid * (E // NW), E // NW)],
                    dst_v.at[pl.ds(0, E // NW)])

    ones = jnp.ones((16,), jnp.float32)

    def acc_body(i, _):
        idx = dst_v[pl.ds(i * 16, 16)]
        plsc.addupdate_scatter(hist_v, [idx], ones)
        return 0

    lax.fori_loop(0, (E // NW) // 16, acc_body, 0)

    pltpu.sync_copy(hist_v, out_hbm.at[pl.ds(wid * HIST, HIST)])


@functools.partial(
    pl.kernel,
    out_type=jax.ShapeDtypeStruct((NC, N_PAD, F), jnp.float32),
    mesh=_mesh,
    scratch_types=[
        pltpu.VMEM((CH, BE), jnp.int32),
        pltpu.VMEM((CH, BE), jnp.int32),
        pltpu.VMEM((BE, F), jnp.float32),
        pltpu.VMEM((BE, F), jnp.float32),
        pltpu.VMEM_SHARED((N_PAD, F), jnp.float32),
        pltpu.SemaphoreType.DMA,
        pltpu.SemaphoreType.DMA,
    ],
    compiler_params=pltpu.CompilerParams(needs_layout_passes=False),
)
def _agg_kernel(xs_hbm, src_hbm, dst_hbm, out_hbm, sidx, didx, rows_a, rows_b,
                acc, sem_a, sem_b):
    c = lax.axis_index("c")
    s = lax.axis_index("s")

    pltpu.sync_copy(xs_hbm.at[pl.ds(s * INIT_RPT, INIT_RPT)],
                    acc.at[pl.ds(s * INIT_RPT, INIT_RPT)])
    plsc.subcore_barrier()

    row0 = jnp.where(c == 0, s * NB_C0, NS * NB_C0 + s * NB_C1)
    nchunk = jnp.where(c == 0, NB_C0 // CH, NB_C1 // CH)

    def chunk_body(ch, _):
        pltpu.sync_copy(src_hbm.at[pl.ds(row0 + ch * CH, CH)], sidx)
        pltpu.sync_copy(dst_hbm.at[pl.ds(row0 + ch * CH, CH)], didx)
        pltpu.async_copy(xs_hbm.at[sidx.at[0]], rows_a, sem_a)

        def pair(k, _):
            j = 2 * k
            pltpu.async_copy(xs_hbm.at[sidx.at[j + 1]], rows_b, sem_b)
            pltpu.make_async_copy(xs_hbm.at[sidx.at[j]], rows_a, sem_a).wait()
            pltpu.sync_copy(rows_a, acc.at[didx.at[j]], add=True)

            @pl.when(j + 2 < CH)
            def _():
                pltpu.async_copy(xs_hbm.at[sidx.at[j + 2]], rows_a, sem_a)

            pltpu.make_async_copy(xs_hbm.at[sidx.at[j + 1]], rows_b, sem_b).wait()
            pltpu.sync_copy(rows_b, acc.at[didx.at[j + 1]], add=True)
            return 0

        lax.fori_loop(0, CH // 2, pair, 0)
        return 0

    lax.fori_loop(0, nchunk, chunk_body, 0)
    plsc.subcore_barrier()

    pltpu.sync_copy(acc.at[pl.ds(s * OUT_RPT, OUT_RPT)],
                    out_hbm.at[c, pl.ds(s * OUT_RPT, OUT_RPT)])


ROWS_BLK = 1000
GRID = N // ROWS_BLK

_row_spec = pl.BlockSpec((ROWS_BLK, F), lambda i: (i, 0))
_col_spec = pl.BlockSpec((ROWS_BLK, 1), lambda i: (i, 0))
_full_spec = pl.BlockSpec((F, F), lambda i: (0, 0))
_bias_spec = pl.BlockSpec((1, F), lambda i: (0, 0))


def _mm_body(x_ref, w_ref, o_ref):
    o_ref[...] = jnp.dot(x_ref[...], w_ref[...],
                         preferred_element_type=jnp.float32)


def _tc_mm(x, w):
    return pl.pallas_call(
        _mm_body,
        grid=(GRID,),
        in_specs=[_row_spec, _full_spec],
        out_specs=_row_spec,
        out_shape=jax.ShapeDtypeStruct((N, F), jnp.float32),
    )(x, w)


def _degsum_body(d_ref, o_ref):
    o_ref[...] = jnp.sum(d_ref[...], axis=0, keepdims=True)


def _tc_degsum(d):
    return pl.pallas_call(
        _degsum_body,
        grid=(1,),
        in_specs=[pl.BlockSpec((NW, HIST), lambda i: (0, 0))],
        out_specs=pl.BlockSpec((1, HIST), lambda i: (0, 0)),
        out_shape=jax.ShapeDtypeStruct((1, HIST), jnp.float32),
    )(d)


def _prep_body(y_ref, d_ref, xs_ref, dinv_ref):
    deg = d_ref[...] + 1.0
    dinv = lax.rsqrt(deg)
    dinv_ref[...] = dinv
    xs_ref[...] = y_ref[...] * dinv


def _tc_prep(y, d):
    return pl.pallas_call(
        _prep_body,
        grid=(GRID,),
        in_specs=[_row_spec, _col_spec],
        out_specs=[_row_spec, _col_spec],
        out_shape=[jax.ShapeDtypeStruct((N, F), jnp.float32),
                   jax.ShapeDtypeStruct((N, 1), jnp.float32)],
    )(y, d)


def _mid_body(p0_ref, p1_ref, xs_ref, dinv_ref, b_ref, w_ref, o_ref):
    agg = p0_ref[...] + p1_ref[...] - xs_ref[...]
    h = jnp.maximum(agg * dinv_ref[...] + b_ref[...], 0.0)
    o_ref[...] = jnp.dot(h, w_ref[...],
                         preferred_element_type=jnp.float32) * dinv_ref[...]


def _tc_mid(p0, p1, xs, dinv, b, w):
    return pl.pallas_call(
        _mid_body,
        grid=(GRID,),
        in_specs=[_row_spec, _row_spec, _row_spec, _col_spec, _bias_spec,
                  _full_spec],
        out_specs=_row_spec,
        out_shape=jax.ShapeDtypeStruct((N, F), jnp.float32),
    )(p0, p1, xs, dinv, b, w)


def _out_body(q0_ref, q1_ref, xs_ref, dinv_ref, b_ref, o_ref):
    agg = q0_ref[...] + q1_ref[...] - xs_ref[...]
    o_ref[...] = agg * dinv_ref[...] + b_ref[...]


def _tc_out(q0, q1, xs, dinv, b):
    return pl.pallas_call(
        _out_body,
        grid=(GRID,),
        in_specs=[_row_spec, _row_spec, _row_spec, _col_spec, _bias_spec],
        out_specs=_row_spec,
        out_shape=jax.ShapeDtypeStruct((N, F), jnp.float32),
    )(q0, q1, xs, dinv, b)


def kernel(x, edge_index, W1, b1, W2, b2):
    src = edge_index[0]
    dst = edge_index[1]

    pad = jnp.full((E_PAD - E,), N, dtype=jnp.int32)
    src_p = jnp.concatenate([src, pad]).reshape(NB_TOT, BE)
    dst_p = jnp.concatenate([dst, pad]).reshape(NB_TOT, BE)

    d_parts = _deg_kernel(dst, jnp.zeros((HIST,), jnp.float32))
    d = _tc_degsum(d_parts.reshape(NW, HIST))[0, :N].reshape(N, 1)

    zpad = jnp.zeros((N_PAD - N, F), jnp.float32)

    y1 = _tc_mm(x, W1)
    xs1, dinv = _tc_prep(y1, d)
    p = _agg_kernel(jnp.concatenate([xs1, zpad]), src_p, dst_p)
    xs2 = _tc_mid(p[0, :N], p[1, :N], xs1, dinv, b1.reshape(1, F), W2)
    q = _agg_kernel(jnp.concatenate([xs2, zpad]), src_p, dst_p)
    return _tc_out(q[0, :N], q[1, :N], xs2, dinv, b2.reshape(1, F))

# --- scband reference (transcript-rebuilt; emitter-appended) ---
"""Pipeline reference for scband-gcn-88570815578142 (READ-ONLY COPY).

The authoritative reference and input builder live on the scoring server;
editing this copy changes nothing except your own understanding.
"""

import jax, jax.numpy as jnp
import numpy as np

N = 10000
E = 320000
F_IN = 128
H = 128
F_OUT = 128


def setup_inputs(seed: int = 0) -> dict:
    key = jax.random.key(seed)
    k1, k2, k3, k4, k5, k6 = jax.random.split(key, 6)
    x = jax.random.normal(k1, (N, F_IN), dtype=jnp.float32)
    edge_index = jax.random.randint(k2, (2, E), 0, N, dtype=jnp.int32)
    W1 = jax.random.normal(k3, (F_IN, H), dtype=jnp.float32) * (1.0 / np.sqrt(F_IN))
    b1 = jnp.zeros((H,), dtype=jnp.float32)
    W2 = jax.random.normal(k4, (H, F_OUT), dtype=jnp.float32) * (1.0 / np.sqrt(H))
    b2 = jnp.zeros((F_OUT,), dtype=jnp.float32)
    return {"x": x, "edge_index": edge_index, "W1": W1, "b1": b1, "W2": W2, "b2": b2}


def gcn_conv(x, src, dst, W, b):
    # GCNConv: out = D^{-1/2} (A + I) D^{-1/2} X W + b  (symmetric normalization, self-loops)
    n = x.shape[0]
    deg = jnp.zeros((n,), dtype=jnp.float32).at[dst].add(1.0)
    dinv = jax.lax.rsqrt(jnp.maximum(deg, 1.0))
    norm = dinv[src] * dinv[dst]
    xw = x @ W
    msgs = jnp.take(xw, src, axis=0) * norm[:, None]
    out = jnp.zeros((n, W.shape[1]), dtype=jnp.float32).at[dst].add(msgs)
    return out + b


def reference(x, edge_index, W1, b1, W2, b2):
    n = x.shape[0]
    loop = jnp.arange(n, dtype=edge_index.dtype)
    src = jnp.concatenate([edge_index[0], loop])
    dst = jnp.concatenate([edge_index[1], loop])
    h = jax.nn.relu(gcn_conv(x, src, dst, W1, b1))
    out = gcn_conv(h, src, dst, W2, b2)
    return out

if __name__ == "__main__":
    import jax
    _d = setup_inputs()
    print(jax.jit(kernel)(*tuple(_d.values())))

</pallas_src>

<mosaic_0001>
#map = affine_map<(d0, d1) -> (0, 0)>
#map1 = affine_map<(d0, d1) -> (0, 0, 0)>
module attributes {stable_mosaic.version = 14 : i64} {
  func.func @_agg_kernel(%arg0: i32, %arg1: i32, %arg2: memref<10240x128xf32, #tpu.memory_space<hbm>>, %arg3: memref<2560x128xi32, #tpu.memory_space<hbm>>, %arg4: memref<2560x128xi32, #tpu.memory_space<hbm>>, %arg5: memref<2x10240x128xf32, #tpu.memory_space<hbm>>, %arg6: memref<8x128xi32, #tpu.memory_space<vmem>>, %arg7: memref<8x128xi32, #tpu.memory_space<vmem>>, %arg8: memref<128x128xf32, #tpu.memory_space<vmem>>, %arg9: memref<128x128xf32, #tpu.memory_space<vmem>>, %arg10: memref<10240x128xf32, #tpu.memory_space<vmem_shared>>, %arg11: memref<!tpu.dma_semaphore, #tpu.memory_space<semaphore_mem>>, %arg12: memref<!tpu.dma_semaphore, #tpu.memory_space<semaphore_mem>>) attributes {dimension_semantics = [#tpu.dimension_semantics<core_parallel>, #tpu.dimension_semantics<subcore_parallel>], iteration_bounds = array<i64: 2, 16>, scalar_prefetch = 0 : i64, scratch_operands = 7 : i64, tpu.core_type = #tpu.core_type<sc_vector_subcore>, window_params = [{transform_indices = #map}, {transform_indices = #map}, {transform_indices = #map}, {transform_indices = #map1}]} {
    %mul3A = arith.constant 640 : i32
    %mul3A_0 = arith.muli %arg1, %mul3A : i32
    %mul3A_1 = arith.constant 640 : i32
    %mul3A_2 = arith.muli %arg1, %mul3A_1 : i32
    "tpu.region"() ({
      %run_scoped3A = tpu.sem_alloc : memref<!tpu.dma_semaphore, #tpu.memory_space<semaphore_mem>>
      %dma_start3A = arith.constant 0 : i32
      %dma_start3A_29 = tpu.memref_slice %arg10[%mul3A_2, %dma_start3A] : memref<10240x128xf32, #tpu.memory_space<vmem_shared>> -> memref<640x128xf32, #tpu.memory_space<vmem_shared>>
      %dma_start3A_30 = arith.constant 0 : i32
      %dma_start3A_31 = tpu.memref_slice %arg2[%mul3A_0, %dma_start3A_30] : memref<10240x128xf32, #tpu.memory_space<hbm>> -> memref<640x128xf32, #tpu.memory_space<hbm>>
      tpu.enqueue_dma source(%dma_start3A_31 : memref<640x128xf32, #tpu.memory_space<hbm>>) target(%dma_start3A_29 : memref<640x128xf32, #tpu.memory_space<vmem_shared>>) target_semaphore(%run_scoped3A : memref<!tpu.dma_semaphore, #tpu.memory_space<semaphore_mem>>)
      %dma_wait3A = arith.constant 0 : i32
      %dma_wait3A_32 = tpu.memref_slice %arg10[%mul3A_2, %dma_wait3A] : memref<10240x128xf32, #tpu.memory_space<vmem_shared>> -> memref<640x128xf32, #tpu.memory_space<vmem_shared>>
      %dma_wait3A_33 = arith.constant 0 : i32
      %dma_wait3A_34 = tpu.memref_slice %arg2[%mul3A_0, %dma_wait3A_33] : memref<10240x128xf32, #tpu.memory_space<hbm>> -> memref<640x128xf32, #tpu.memory_space<hbm>>
      tpu.wait_dma2 semaphore(%run_scoped3A : memref<!tpu.dma_semaphore, #tpu.memory_space<semaphore_mem>>) src(%dma_wait3A_34 : memref<640x128xf32, #tpu.memory_space<hbm>>) dst(%dma_wait3A_32 : memref<640x128xf32, #tpu.memory_space<vmem_shared>>)
      tpu.yield
    }) : () -> ()
    %barrier3A = arith.constant 0 : index
    tpu.barrier barrier_id(%barrier3A)
    %eq3A = arith.constant 0 : i32
    %eq3A_3 = arith.cmpi eq, %arg0, %eq3A : i32
    %mul3A_4 = arith.constant 152 : i32
    %mul3A_5 = arith.muli %arg1, %mul3A_4 : i32
    %mul3A_6 = arith.constant 8 : i32
    %mul3A_7 = arith.muli %arg1, %mul3A_6 : i32
    %add3A = arith.constant 2432 : i32
    %add3A_8 = arith.addi %add3A, %mul3A_7 : i32
    %select_n3A = arith.select %eq3A_3, %mul3A_5, %add3A_8 : i32
    %eq3A_9 = arith.constant 0 : i32
    %eq3A_10 = arith.cmpi eq, %arg0, %eq3A_9 : i32
    %jit3A = arith.constant 19 : i32
    %jit3A_11 = arith.constant 1 : i32
    %select_n3A_12 = arith.select %eq3A_10, %jit3A, %jit3A_11 : i32
    %while3A = arith.constant 0 : i32
    %while3A_13 = arith.constant 0 : i32
    %while3A_14 = arith.subi %select_n3A_12, %while3A : i32
    %while3A_15 = arith.addi %while3A, %while3A_14 : i32
    %while3A_16 = arith.constant 1 : i32
    %while3A_17 = arith.divsi %while3A_14, %while3A_16 : i32
    %while3A_18 = arith.muli %while3A_17, %while3A_16 : i32
    %while3A_19 = arith.addi %while3A, %while3A_18 : i32
    %while3A_20 = arith.constant 1 : i32
    %while3A_21 = scf.for %while3A_29 = %while3A to %while3A_19 step %while3A_20 iter_args(%while3A_30 = %while3A_13) -> (i32)  : i32 {
      %mul3A_31 = arith.constant 8 : i32
      %mul3A_32 = arith.muli %while3A_29, %mul3A_31 : i32
      %add3A_33 = arith.addi %select_n3A, %mul3A_32 : i32
      "tpu.region"() ({
        %run_scoped3A = tpu.sem_alloc : memref<!tpu.dma_semaphore, #tpu.memory_space<semaphore_mem>>
        %dma_start3A_50 = arith.constant 0 : i32
        %dma_start3A_51 = tpu.memref_slice %arg3[%add3A_33, %dma_start3A_50] : memref<2560x128xi32, #tpu.memory_space<hbm>> -> memref<8x128xi32, #tpu.memory_space<hbm>>
        %dma_start3A_52 = arith.constant 0 : i32
        %dma_start3A_53 = tpu.memref_slice %arg3[%add3A_33, %dma_start3A_52] : memref<2560x128xi32, #tpu.memory_space<hbm>> -> memref<8x128xi32, #tpu.memory_space<hbm>>
        tpu.enqueue_dma source(%dma_start3A_53 : memref<8x128xi32, #tpu.memory_space<hbm>>) target(%arg6 : memref<8x128xi32, #tpu.memory_space<vmem>>) target_semaphore(%run_scoped3A : memref<!tpu.dma_semaphore, #tpu.memory_space<semaphore_mem>>)
        %dma_wait3A = arith.constant 0 : i32
        %dma_wait3A_54 = tpu.memref_slice %arg3[%add3A_33, %dma_wait3A] : memref<2560x128xi32, #tpu.memory_space<hbm>> -> memref<8x128xi32, #tpu.memory_space<hbm>>
        %dma_wait3A_55 = arith.constant 0 : i32
        %dma_wait3A_56 = tpu.memref_slice %arg3[%add3A_33, %dma_wait3A_55] : memref<2560x128xi32, #tpu.memory_space<hbm>> -> memref<8x128xi32, #tpu.memory_space<hbm>>
        tpu.wait_dma2 semaphore(%run_scoped3A : memref<!tpu.dma_semaphore, #tpu.memory_space<semaphore_mem>>) src(%dma_wait3A_56 : memref<8x128xi32, #tpu.memory_space<hbm>>) dst(%arg6 : memref<8x128xi32, #tpu.memory_space<vmem>>)
        tpu.yield
      }) : () -> ()
      %mul3A_34 = arith.constant 8 : i32
      %mul3A_35 = arith.muli %while3A_29, %mul3A_34 : i32
      %add3A_36 = arith.addi %select_n3A, %mul3A_35 : i32
      "tpu.region"() ({
        %run_scoped3A = tpu.sem_alloc : memref<!tpu.dma_semaphore, #tpu.memory_space<semaphore_mem>>
        %dma_start3A_50 = arith.constant 0 : i32
        %dma_start3A_51 = tpu.memref_slice %arg4[%add3A_36, %dma_start3A_50] : memref<2560x128xi32, #tpu.memory_space<hbm>> -> memref<8x128xi32, #tpu.memory_space<hbm>>
        %dma_start3A_52 = arith.constant 0 : i32
        %dma_start3A_53 = tpu.memref_slice %arg4[%add3A_36, %dma_start3A_52] : memref<2560x128xi32, #tpu.memory_space<hbm>> -> memref<8x128xi32, #tpu.memory_space<hbm>>
        tpu.enqueue_dma source(%dma_start3A_53 : memref<8x128xi32, #tpu.memory_space<hbm>>) target(%arg7 : memref<8x128xi32, #tpu.memory_space<vmem>>) target_semaphore(%run_scoped3A : memref<!tpu.dma_semaphore, #tpu.memory_space<semaphore_mem>>)
        %dma_wait3A = arith.constant 0 : i32
        %dma_wait3A_54 = tpu.memref_slice %arg4[%add3A_36, %dma_wait3A] : memref<2560x128xi32, #tpu.memory_space<hbm>> -> memref<8x128xi32, #tpu.memory_space<hbm>>
        %dma_wait3A_55 = arith.constant 0 : i32
        %dma_wait3A_56 = tpu.memref_slice %arg4[%add3A_36, %dma_wait3A_55] : memref<2560x128xi32, #tpu.memory_space<hbm>> -> memref<8x128xi32, #tpu.memory_space<hbm>>
        tpu.wait_dma2 semaphore(%run_scoped3A : memref<!tpu.dma_semaphore, #tpu.memory_space<semaphore_mem>>) src(%dma_wait3A_56 : memref<8x128xi32, #tpu.memory_space<hbm>>) dst(%arg7 : memref<8x128xi32, #tpu.memory_space<vmem>>)
        tpu.yield
      }) : () -> ()
      %dma_start3A = arith.constant 0 : i32
      %dma_start3A_37 = arith.constant 0 : i32
      %dma_start3A_38 = tpu.memref_slice %arg6[%dma_start3A, %dma_start3A_37] : memref<8x128xi32, #tpu.memory_space<vmem>> -> memref<1x128xi32, #tpu.memory_space<vmem>>
      %dma_start3A_39 = tpu.memref_squeeze %dma_start3A_38 : memref<1x128xi32, #tpu.memory_space<vmem>> -> memref<128xi32, #tpu.memory_space<vmem>>
      %dma_start3A_40 = arith.constant 0 : i32
      %dma_start3A_41 = arith.constant 0 : i32
      %dma_start3A_42 = tpu.memref_slice %arg2[%dma_start3A_40, %dma_start3A_41] : memref<10240x128xf32, #tpu.memory_space<hbm>> -> memref<10240x128xf32, #tpu.memory_space<hbm>>
      tpu.enqueue_indirect_dma source(%dma_start3A_42 : memref<10240x128xf32, #tpu.memory_space<hbm>>) target(%arg8 : memref<128x128xf32, #tpu.memory_space<vmem>>) offsets(%dma_start3A_39 : memref<128xi32, #tpu.memory_space<vmem>>) semaphore(%arg11 : memref<!tpu.dma_semaphore, #tpu.memory_space<semaphore_mem>>)
      %scan3A = arith.constant 0 : i32
      %scan3A_43 = arith.constant 0 : i32
      %scan3A_44 = arith.constant 4 : i32
      %scan3A_45 = arith.addi %scan3A_43, %scan3A_44 : i32
      %scan3A_46 = arith.constant 1 : i32
      %scan3A_47 = scf.for %scan3A_50 = %scan3A_43 to %scan3A_45 step %scan3A_46 iter_args(%scan3A_51 = %scan3A) -> (i32)  : i32 {
        %mul3A_52 = arith.constant 2 : i32
        %mul3A_53 = arith.muli %mul3A_52, %scan3A_50 : i32
        %add3A_54 = arith.constant 1 : i32
        %add3A_55 = arith.addi %mul3A_53, %add3A_54 : i32
        %dma_start3A_56 = arith.constant 0 : i32
        %dma_start3A_57 = tpu.memref_slice %arg6[%add3A_55, %dma_start3A_56] : memref<8x128xi32, #tpu.memory_space<vmem>> -> memref<1x128xi32, #tpu.memory_space<vmem>>
        %dma_start3A_58 = tpu.memref_squeeze %dma_start3A_57 : memref<1x128xi32, #tpu.memory_space<vmem>> -> memref<128xi32, #tpu.memory_space<vmem>>
        %dma_start3A_59 = arith.constant 0 : i32
        %dma_start3A_60 = arith.constant 0 : i32
        %dma_start3A_61 = tpu.memref_slice %arg2[%dma_start3A_59, %dma_start3A_60] : memref<10240x128xf32, #tpu.memory_space<hbm>> -> memref<10240x128xf32, #tpu.memory_space<hbm>>
        tpu.enqueue_indirect_dma source(%dma_start3A_61 : memref<10240x128xf32, #tpu.memory_space<hbm>>) target(%arg9 : memref<128x128xf32, #tpu.memory_space<vmem>>) offsets(%dma_start3A_58 : memref<128xi32, #tpu.memory_space<vmem>>) semaphore(%arg12 : memref<!tpu.dma_semaphore, #tpu.memory_space<semaphore_mem>>)
        %dma_wait3A = arith.constant 0 : i32
        %dma_wait3A_62 = tpu.memref_slice %arg6[%mul3A_53, %dma_wait3A] : memref<8x128xi32, #tpu.memory_space<vmem>> -> memref<1x128xi32, #tpu.memory_space<vmem>>
        %dma_wait3A_63 = tpu.memref_squeeze %dma_wait3A_62 : memref<1x128xi32, #tpu.memory_space<vmem>> -> memref<128xi32, #tpu.memory_space<vmem>>
        %dma_wait3A_64 = arith.constant 0 : i32
        %dma_wait3A_65 = arith.constant 0 : i32
        %dma_wait3A_66 = tpu.memref_slice %arg2[%dma_wait3A_64, %dma_wait3A_65] : memref<10240x128xf32, #tpu.memory_space<hbm>> -> memref<10240x128xf32, #tpu.memory_space<hbm>>
        tpu.wait_indirect_dma semaphore(%arg11 : memref<!tpu.dma_semaphore, #tpu.memory_space<semaphore_mem>>) src(%dma_wait3A_66 : memref<10240x128xf32, #tpu.memory_space<hbm>>) dst(%arg8 : memref<128x128xf32, #tpu.memory_space<vmem>>)
        "tpu.region"() ({
          %run_scoped3A = tpu.sem_alloc : memref<!tpu.dma_semaphore, #tpu.memory_space<semaphore_mem>>
          %dma_start3A_82 = arith.constant 0 : i32
          %dma_start3A_83 = tpu.memref_slice %arg7[%mul3A_53, %dma_start3A_82] : memref<8x128xi32, #tpu.memory_space<vmem>> -> memref<1x128xi32, #tpu.memory_space<vmem>>
          %dma_start3A_84 = tpu.memref_squeeze %dma_start3A_83 : memref<1x128xi32, #tpu.memory_space<vmem>> -> memref<128xi32, #tpu.memory_space<vmem>>
          %dma_start3A_85 = arith.constant 0 : i32
          %dma_start3A_86 = arith.constant 0 : i32
          %dma_start3A_87 = tpu.memref_slice %arg10[%dma_start3A_85, %dma_start3A_86] : memref<10240x128xf32, #tpu.memory_space<vmem_shared>> -> memref<10240x128xf32, #tpu.memory_space<vmem_shared>>
          tpu.enqueue_indirect_dma source(%arg8 : memref<128x128xf32, #tpu.memory_space<vmem>>) target(%dma_start3A_87 : memref<10240x128xf32, #tpu.memory_space<vmem_shared>>) offsets(%dma_start3A_84 : memref<128xi32, #tpu.memory_space<vmem>>) semaphore(%run_scoped3A : memref<!tpu.dma_semaphore, #tpu.memory_space<semaphore_mem>>) {add = true}
          %dma_wait3A_88 = arith.constant 0 : i32
          %dma_wait3A_89 = tpu.memref_slice %arg7[%mul3A_53, %dma_wait3A_88] : memref<8x128xi32, #tpu.memory_space<vmem>> -> memref<1x128xi32, #tpu.memory_space<vmem>>
          %dma_wait3A_90 = tpu.memref_squeeze %dma_wait3A_89 : memref<1x128xi32, #tpu.memory_space<vmem>> -> memref<128xi32, #tpu.memory_space<vmem>>
          %dma_wait3A_91 = arith.constant 0 : i32
          %dma_wait3A_92 = arith.constant 0 : i32
          %dma_wait3A_93 = tpu.memref_slice %arg10[%dma_wait3A_91, %dma_wait3A_92] : memref<10240x128xf32, #tpu.memory_space<vmem_shared>> -> memref<10240x128xf32, #tpu.memory_space<vmem_shared>>
          tpu.wait_indirect_dma semaphore(%run_scoped3A : memref<!tpu.dma_semaphore, #tpu.memory_space<semaphore_mem>>) src(%arg8 : memref<128x128xf32, #tpu.memory_space<vmem>>) dst(%dma_wait3A_93 : memref<10240x128xf32, #tpu.memory_space<vmem_shared>>)
          tpu.yield
        }) : () -> ()
        %add3A_67 = arith.constant 2 : i32
        %add3A_68 = arith.addi %mul3A_53, %add3A_67 : i32
        %lt3A = arith.constant 8 : i32
        %lt3A_69 = arith.cmpi slt, %add3A_68, %lt3A : i32
        %convert_element_type3A = arith.extui %lt3A_69 : i1 to i32
        %cond3A = arith.constant 0 : i32
        %cond3A_70 = arith.cmpi ne, %convert_element_type3A, %cond3A : i32
        scf.if %cond3A_70 {
          %add3A_82 = arith.constant 2 : i32
          %add3A_83 = arith.addi %mul3A_53, %add3A_82 : i32
          %dma_start3A_84 = arith.constant 0 : i32
          %dma_start3A_85 = tpu.memref_slice %arg6[%add3A_83, %dma_start3A_84] : memref<8x128xi32, #tpu.memory_space<vmem>> -> memref<1x128xi32, #tpu.memory_space<vmem>>
          %dma_start3A_86 = tpu.memref_squeeze %dma_start3A_85 : memref<1x128xi32, #tpu.memory_space<vmem>> -> memref<128xi32, #tpu.memory_space<vmem>>
          %dma_start3A_87 = arith.constant 0 : i32
          %dma_start3A_88 = arith.constant 0 : i32
          %dma_start3A_89 = tpu.memref_slice %arg2[%dma_start3A_87, %dma_start3A_88] : memref<10240x128xf32, #tpu.memory_space<hbm>> -> memref<10240x128xf32, #tpu.memory_space<hbm>>
          tpu.enqueue_indirect_dma source(%dma_start3A_89 : memref<10240x128xf32, #tpu.memory_space<hbm>>) target(%arg8 : memref<128x128xf32, #tpu.memory_space<vmem>>) offsets(%dma_start3A_86 : memref<128xi32, #tpu.memory_space<vmem>>) semaphore(%arg11 : memref<!tpu.dma_semaphore, #tpu.memory_space<semaphore_mem>>)
        } else {
        }
        %add3A_71 = arith.constant 1 : i32
        %add3A_72 = arith.addi %mul3A_53, %add3A_71 : i32
        %dma_wait3A_73 = arith.constant 0 : i32
        %dma_wait3A_74 = tpu.memref_slice %arg6[%add3A_72, %dma_wait3A_73] : memref<8x128xi32, #tpu.memory_space<vmem>> -> memref<1x128xi32, #tpu.memory_space<vmem>>
        %dma_wait3A_75 = tpu.memref_squeeze %dma_wait3A_74 : memref<1x128xi32, #tpu.memory_space<vmem>> -> memref<128xi32, #tpu.memory_space<vmem>>
        %dma_wait3A_76 = arith.constant 0 : i32
        %dma_wait3A_77 = arith.constant 0 : i32
        %dma_wait3A_78 = tpu.memref_slice %arg2[%dma_wait3A_76, %dma_wait3A_77] : memref<10240x128xf32, #tpu.memory_space<hbm>> -> memref<10240x128xf32, #tpu.memory_space<hbm>>
        tpu.wait_indirect_dma semaphore(%arg12 : memref<!tpu.dma_semaphore, #tpu.memory_space<semaphore_mem>>) src(%dma_wait3A_78 : memref<10240x128xf32, #tpu.memory_space<hbm>>) dst(%arg9 : memref<128x128xf32, #tpu.memory_space<vmem>>)
        %add3A_79 = arith.constant 1 : i32
        %add3A_80 = arith.addi %mul3A_53, %add3A_79 : i32
        "tpu.region"() ({
          %run_scoped3A = tpu.sem_alloc : memref<!tpu.dma_semaphore, #tpu.memory_space<semaphore_mem>>
          %dma_start3A_82 = arith.constant 0 : i32
          %dma_start3A_83 = tpu.memref_slice %arg7[%add3A_80, %dma_start3A_82] : memref<8x128xi32, #tpu.memory_space<vmem>> -> memref<1x128xi32, #tpu.memory_space<vmem>>
          %dma_start3A_84 = tpu.memref_squeeze %dma_start3A_83 : memref<1x128xi32, #tpu.memory_space<vmem>> -> memref<128xi32, #tpu.memory_space<vmem>>
          %dma_start3A_85 = arith.constant 0 : i32
          %dma_start3A_86 = arith.constant 0 : i32
          %dma_start3A_87 = tpu.memref_slice %arg10[%dma_start3A_85, %dma_start3A_86] : memref<10240x128xf32, #tpu.memory_space<vmem_shared>> -> memref<10240x128xf32, #tpu.memory_space<vmem_shared>>
          tpu.enqueue_indirect_dma source(%arg9 : memref<128x128xf32, #tpu.memory_space<vmem>>) target(%dma_start3A_87 : memref<10240x128xf32, #tpu.memory_space<vmem_shared>>) offsets(%dma_start3A_84 : memref<128xi32, #tpu.memory_space<vmem>>) semaphore(%run_scoped3A : memref<!tpu.dma_semaphore, #tpu.memory_space<semaphore_mem>>) {add = true}
          %dma_wait3A_88 = arith.constant 0 : i32
          %dma_wait3A_89 = tpu.memref_slice %arg7[%add3A_80, %dma_wait3A_88] : memref<8x128xi32, #tpu.memory_space<vmem>> -> memref<1x128xi32, #tpu.memory_space<vmem>>
          %dma_wait3A_90 = tpu.memref_squeeze %dma_wait3A_89 : memref<1x128xi32, #tpu.memory_space<vmem>> -> memref<128xi32, #tpu.memory_space<vmem>>
          %dma_wait3A_91 = arith.constant 0 : i32
          %dma_wait3A_92 = arith.constant 0 : i32
          %dma_wait3A_93 = tpu.memref_slice %arg10[%dma_wait3A_91, %dma_wait3A_92] : memref<10240x128xf32, #tpu.memory_space<vmem_shared>> -> memref<10240x128xf32, #tpu.memory_space<vmem_shared>>
          tpu.wait_indirect_dma semaphore(%run_scoped3A : memref<!tpu.dma_semaphore, #tpu.memory_space<semaphore_mem>>) src(%arg9 : memref<128x128xf32, #tpu.memory_space<vmem>>) dst(%dma_wait3A_93 : memref<10240x128xf32, #tpu.memory_space<vmem_shared>>)
          tpu.yield
        }) : () -> ()
        %scan3A_81 = arith.constant 0 : i32
        scf.yield %scan3A_81 : i32
      }
      %scan3A_48 = arith.constant 4 : i32
      %while3A_49 = arith.constant 0 : i32
      scf.yield %while3A_49 : i32
    }
    %while3A_22 = arith.constant 1 : i32
    %while3A_23 = scf.for %while3A_29 = %while3A_19 to %while3A_15 step %while3A_22 iter_args(%while3A_30 = %while3A_21) -> (i32)  : i32 {
      %mul3A_31 = arith.constant 8 : i32
      %mul3A_32 = arith.muli %while3A_29, %mul3A_31 : i32
      %add3A_33 = arith.addi %select_n3A, %mul3A_32 : i32
      "tpu.region"() ({
        %run_scoped3A = tpu.sem_alloc : memref<!tpu.dma_semaphore, #tpu.memory_space<semaphore_mem>>
        %dma_start3A_50 = arith.constant 0 : i32
        %dma_start3A_51 = tpu.memref_slice %arg3[%add3A_33, %dma_start3A_50] : memref<2560x128xi32, #tpu.memory_space<hbm>> -> memref<8x128xi32, #tpu.memory_space<hbm>>
        %dma_start3A_52 = arith.constant 0 : i32
        %dma_start3A_53 = tpu.memref_slice %arg3[%add3A_33, %dma_start3A_52] : memref<2560x128xi32, #tpu.memory_space<hbm>> -> memref<8x128xi32, #tpu.memory_space<hbm>>
        tpu.enqueue_dma source(%dma_start3A_53 : memref<8x128xi32, #tpu.memory_space<hbm>>) target(%arg6 : memref<8x128xi32, #tpu.memory_space<vmem>>) target_semaphore(%run_scoped3A : memref<!tpu.dma_semaphore, #tpu.memory_space<semaphore_mem>>)
        %dma_wait3A = arith.constant 0 : i32
        %dma_wait3A_54 = tpu.memref_slice %arg3[%add3A_33, %dma_wait3A] : memref<2560x128xi32, #tpu.memory_space<hbm>> -> memref<8x128xi32, #tpu.memory_space<hbm>>
        %dma_wait3A_55 = arith.constant 0 : i32
        %dma_wait3A_56 = tpu.memref_slice %arg3[%add3A_33, %dma_wait3A_55] : memref<2560x128xi32, #tpu.memory_space<hbm>> -> memref<8x128xi32, #tpu.memory_space<hbm>>
        tpu.wait_dma2 semaphore(%run_scoped3A : memref<!tpu.dma_semaphore, #tpu.memory_space<semaphore_mem>>) src(%dma_wait3A_56 : memref<8x128xi32, #tpu.memory_space<hbm>>) dst(%arg6 : memref<8x128xi32, #tpu.memory_space<vmem>>)
        tpu.yield
      }) : () -> ()
      %mul3A_34 = arith.constant 8 : i32
      %mul3A_35 = arith.muli %while3A_29, %mul3A_34 : i32
      %add3A_36 = arith.addi %select_n3A, %mul3A_35 : i32
      "tpu.region"() ({
        %run_scoped3A = tpu.sem_alloc : memref<!tpu.dma_semaphore, #tpu.memory_space<semaphore_mem>>
        %dma_start3A_50 = arith.constant 0 : i32
        %dma_start3A_51 = tpu.memref_slice %arg4[%add3A_36, %dma_start3A_50] : memref<2560x128xi32, #tpu.memory_space<hbm>> -> memref<8x128xi32, #tpu.memory_space<hbm>>
        %dma_start3A_52 = arith.constant 0 : i32
        %dma_start3A_53 = tpu.memref_slice %arg4[%add3A_36, %dma_start3A_52] : memref<2560x128xi32, #tpu.memory_space<hbm>> -> memref<8x128xi32, #tpu.memory_space<hbm>>
        tpu.enqueue_dma source(%dma_start3A_53 : memref<8x128xi32, #tpu.memory_space<hbm>>) target(%arg7 : memref<8x128xi32, #tpu.memory_space<vmem>>) target_semaphore(%run_scoped3A : memref<!tpu.dma_semaphore, #tpu.memory_space<semaphore_mem>>)
        %dma_wait3A = arith.constant 0 : i32
        %dma_wait3A_54 = tpu.memref_slice %arg4[%add3A_36, %dma_wait3A] : memref<2560x128xi32, #tpu.memory_space<hbm>> -> memref<8x128xi32, #tpu.memory_space<hbm>>
        %dma_wait3A_55 = arith.constant 0 : i32
        %dma_wait3A_56 = tpu.memref_slice %arg4[%add3A_36, %dma_wait3A_55] : memref<2560x128xi32, #tpu.memory_space<hbm>> -> memref<8x128xi32, #tpu.memory_space<hbm>>
        tpu.wait_dma2 semaphore(%run_scoped3A : memref<!tpu.dma_semaphore, #tpu.memory_space<semaphore_mem>>) src(%dma_wait3A_56 : memref<8x128xi32, #tpu.memory_space<hbm>>) dst(%arg7 : memref<8x128xi32, #tpu.memory_space<vmem>>)
        tpu.yield
      }) : () -> ()
      %dma_start3A = arith.constant 0 : i32
      %dma_start3A_37 = arith.constant 0 : i32
      %dma_start3A_38 = tpu.memref_slice %arg6[%dma_start3A, %dma_start3A_37] : memref<8x128xi32, #tpu.memory_space<vmem>> -> memref<1x128xi32, #tpu.memory_space<vmem>>
      %dma_start3A_39 = tpu.memref_squeeze %dma_start3A_38 : memref<1x128xi32, #tpu.memory_space<vmem>> -> memref<128xi32, #tpu.memory_space<vmem>>
      %dma_start3A_40 = arith.constant 0 : i32
      %dma_start3A_41 = arith.constant 0 : i32
      %dma_start3A_42 = tpu.memref_slice %arg2[%dma_start3A_40, %dma_start3A_41] : memref<10240x128xf32, #tpu.memory_space<hbm>> -> memref<10240x128xf32, #tpu.memory_space<hbm>>
      tpu.enqueue_indirect_dma source(%dma_start3A_42 : memref<10240x128xf32, #tpu.memory_space<hbm>>) target(%arg8 : memref<128x128xf32, #tpu.memory_space<vmem>>) offsets(%dma_start3A_39 : memref<128xi32, #tpu.memory_space<vmem>>) semaphore(%arg11 : memref<!tpu.dma_semaphore, #tpu.memory_space<semaphore_mem>>)
      %scan3A = arith.constant 0 : i32
      %scan3A_43 = arith.constant 0 : i32
      %scan3A_44 = arith.constant 4 : i32
      %scan3A_45 = arith.addi %scan3A_43, %scan3A_44 : i32
      %scan3A_46 = arith.constant 1 : i32
      %scan3A_47 = scf.for %scan3A_50 = %scan3A_43 to %scan3A_45 step %scan3A_46 iter_args(%scan3A_51 = %scan3A) -> (i32)  : i32 {
        %mul3A_52 = arith.constant 2 : i32
        %mul3A_53 = arith.muli %mul3A_52, %scan3A_50 : i32
        %add3A_54 = arith.constant 1 : i32
        %add3A_55 = arith.addi %mul3A_53, %add3A_54 : i32
        %dma_start3A_56 = arith.constant 0 : i32
        %dma_start3A_57 = tpu.memref_slice %arg6[%add3A_55, %dma_start3A_56] : memref<8x128xi32, #tpu.memory_space<vmem>> -> memref<1x128xi32, #tpu.memory_space<vmem>>
        %dma_start3A_58 = tpu.memref_squeeze %dma_start3A_57 : memref<1x128xi32, #tpu.memory_space<vmem>> -> memref<128xi32, #tpu.memory_space<vmem>>
        %dma_start3A_59 = arith.constant 0 : i32
        %dma_start3A_60 = arith.constant 0 : i32
        %dma_start3A_61 = tpu.memref_slice %arg2[%dma_start3A_59, %dma_start3A_60] : memref<10240x128xf32, #tpu.memory_space<hbm>> -> memref<10240x128xf32, #tpu.memory_space<hbm>>
        tpu.enqueue_indirect_dma source(%dma_start3A_61 : memref<10240x128xf32, #tpu.memory_space<hbm>>) target(%arg9 : memref<128x128xf32, #tpu.memory_space<vmem>>) offsets(%dma_start3A_58 : memref<128xi32, #tpu.memory_space<vmem>>) semaphore(%arg12 : memref<!tpu.dma_semaphore, #tpu.memory_space<semaphore_mem>>)
        %dma_wait3A = arith.constant 0 : i32
        %dma_wait3A_62 = tpu.memref_slice %arg6[%mul3A_53, %dma_wait3A] : memref<8x128xi32, #tpu.memory_space<vmem>> -> memref<1x128xi32, #tpu.memory_space<vmem>>
        %dma_wait3A_63 = tpu.memref_squeeze %dma_wait3A_62 : memref<1x128xi32, #tpu.memory_space<vmem>> -> memref<128xi32, #tpu.memory_space<vmem>>
        %dma_wait3A_64 = arith.constant 0 : i32
        %dma_wait3A_65 = arith.constant 0 : i32
        %dma_wait3A_66 = tpu.memref_slice %arg2[%dma_wait3A_64, %dma_wait3A_65] : memref<10240x128xf32, #tpu.memory_space<hbm>> -> memref<10240x128xf32, #tpu.memory_space<hbm>>
        tpu.wait_indirect_dma semaphore(%arg11 : memref<!tpu.dma_semaphore, #tpu.memory_space<semaphore_mem>>) src(%dma_wait3A_66 : memref<10240x128xf32, #tpu.memory_space<hbm>>) dst(%arg8 : memref<128x128xf32, #tpu.memory_space<vmem>>)
        "tpu.region"() ({
          %run_scoped3A = tpu.sem_alloc : memref<!tpu.dma_semaphore, #tpu.memory_space<semaphore_mem>>
          %dma_start3A_82 = arith.constant 0 : i32
          %dma_start3A_83 = tpu.memref_slice %arg7[%mul3A_53, %dma_start3A_82] : memref<8x128xi32, #tpu.memory_space<vmem>> -> memref<1x128xi32, #tpu.memory_space<vmem>>
          %dma_start3A_84 = tpu.memref_squeeze %dma_start3A_83 : memref<1x128xi32, #tpu.memory_space<vmem>> -> memref<128xi32, #tpu.memory_space<vmem>>
          %dma_start3A_85 = arith.constant 0 : i32
          %dma_start3A_86 = arith.constant 0 : i32
          %dma_start3A_87 = tpu.memref_slice %arg10[%dma_start3A_85, %dma_start3A_86] : memref<10240x128xf32, #tpu.memory_space<vmem_shared>> -> memref<10240x128xf32, #tpu.memory_space<vmem_shared>>
          tpu.enqueue_indirect_dma source(%arg8 : memref<128x128xf32, #tpu.memory_space<vmem>>) target(%dma_start3A_87 : memref<10240x128xf32, #tpu.memory_space<vmem_shared>>) offsets(%dma_start3A_84 : memref<128xi32, #tpu.memory_space<vmem>>) semaphore(%run_scoped3A : memref<!tpu.dma_semaphore, #tpu.memory_space<semaphore_mem>>) {add = true}
          %dma_wait3A_88 = arith.constant 0 : i32
          %dma_wait3A_89 = tpu.memref_slice %arg7[%mul3A_53, %dma_wait3A_88] : memref<8x128xi32, #tpu.memory_space<vmem>> -> memref<1x128xi32, #tpu.memory_space<vmem>>
          %dma_wait3A_90 = tpu.memref_squeeze %dma_wait3A_89 : memref<1x128xi32, #tpu.memory_space<vmem>> -> memref<128xi32, #tpu.memory_space<vmem>>
          %dma_wait3A_91 = arith.constant 0 : i32
          %dma_wait3A_92 = arith.constant 0 : i32
          %dma_wait3A_93 = tpu.memref_slice %arg10[%dma_wait3A_91, %dma_wait3A_92] : memref<10240x128xf32, #tpu.memory_space<vmem_shared>> -> memref<10240x128xf32, #tpu.memory_space<vmem_shared>>
          tpu.wait_indirect_dma semaphore(%run_scoped3A : memref<!tpu.dma_semaphore, #tpu.memory_space<semaphore_mem>>) src(%arg8 : memref<128x128xf32, #tpu.memory_space<vmem>>) dst(%dma_wait3A_93 : memref<10240x128xf32, #tpu.memory_space<vmem_shared>>)
          tpu.yield
        }) : () -> ()
        %add3A_67 = arith.constant 2 : i32
        %add3A_68 = arith.addi %mul3A_53, %add3A_67 : i32
        %lt3A = arith.constant 8 : i32
        %lt3A_69 = arith.cmpi slt, %add3A_68, %lt3A : i32
        %convert_element_type3A = arith.extui %lt3A_69 : i1 to i32
        %cond3A = arith.constant 0 : i32
        %cond3A_70 = arith.cmpi ne, %convert_element_type3A, %cond3A : i32
        scf.if %cond3A_70 {
          %add3A_82 = arith.constant 2 : i32
          %add3A_83 = arith.addi %mul3A_53, %add3A_82 : i32
          %dma_start3A_84 = arith.constant 0 : i32
          %dma_start3A_85 = tpu.memref_slice %arg6[%add3A_83, %dma_start3A_84] : memref<8x128xi32, #tpu.memory_space<vmem>> -> memref<1x128xi32, #tpu.memory_space<vmem>>
          %dma_start3A_86 = tpu.memref_squeeze %dma_start3A_85 : memref<1x128xi32, #tpu.memory_space<vmem>> -> memref<128xi32, #tpu.memory_space<vmem>>
          %dma_start3A_87 = arith.constant 0 : i32
          %dma_start3A_88 = arith.constant 0 : i32
          %dma_start3A_89 = tpu.memref_slice %arg2[%dma_start3A_87, %dma_start3A_88] : memref<10240x128xf32, #tpu.memory_space<hbm>> -> memref<10240x128xf32, #tpu.memory_space<hbm>>
          tpu.enqueue_indirect_dma source(%dma_start3A_89 : memref<10240x128xf32, #tpu.memory_space<hbm>>) target(%arg8 : memref<128x128xf32, #tpu.memory_space<vmem>>) offsets(%dma_start3A_86 : memref<128xi32, #tpu.memory_space<vmem>>) semaphore(%arg11 : memref<!tpu.dma_semaphore, #tpu.memory_space<semaphore_mem>>)
        } else {
        }
        %add3A_71 = arith.constant 1 : i32
        %add3A_72 = arith.addi %mul3A_53, %add3A_71 : i32
        %dma_wait3A_73 = arith.constant 0 : i32
        %dma_wait3A_74 = tpu.memref_slice %arg6[%add3A_72, %dma_wait3A_73] : memref<8x128xi32, #tpu.memory_space<vmem>> -> memref<1x128xi32, #tpu.memory_space<vmem>>
        %dma_wait3A_75 = tpu.memref_squeeze %dma_wait3A_74 : memref<1x128xi32, #tpu.memory_space<vmem>> -> memref<128xi32, #tpu.memory_space<vmem>>
        %dma_wait3A_76 = arith.constant 0 : i32
        %dma_wait3A_77 = arith.constant 0 : i32
        %dma_wait3A_78 = tpu.memref_slice %arg2[%dma_wait3A_76, %dma_wait3A_77] : memref<10240x128xf32, #tpu.memory_space<hbm>> -> memref<10240x128xf32, #tpu.memory_space<hbm>>
        tpu.wait_indirect_dma semaphore(%arg12 : memref<!tpu.dma_semaphore, #tpu.memory_space<semaphore_mem>>) src(%dma_wait3A_78 : memref<10240x128xf32, #tpu.memory_space<hbm>>) dst(%arg9 : memref<128x128xf32, #tpu.memory_space<vmem>>)
        %add3A_79 = arith.constant 1 : i32
        %add3A_80 = arith.addi %mul3A_53, %add3A_79 : i32
        "tpu.region"() ({
          %run_scoped3A = tpu.sem_alloc : memref<!tpu.dma_semaphore, #tpu.memory_space<semaphore_mem>>
          %dma_start3A_82 = arith.constant 0 : i32
          %dma_start3A_83 = tpu.memref_slice %arg7[%add3A_80, %dma_start3A_82] : memref<8x128xi32, #tpu.memory_space<vmem>> -> memref<1x128xi32, #tpu.memory_space<vmem>>
          %dma_start3A_84 = tpu.memref_squeeze %dma_start3A_83 : memref<1x128xi32, #tpu.memory_space<vmem>> -> memref<128xi32, #tpu.memory_space<vmem>>
          %dma_start3A_85 = arith.constant 0 : i32
          %dma_start3A_86 = arith.constant 0 : i32
          %dma_start3A_87 = tpu.memref_slice %arg10[%dma_start3A_85, %dma_start3A_86] : memref<10240x128xf32, #tpu.memory_space<vmem_shared>> -> memref<10240x128xf32, #tpu.memory_space<vmem_shared>>
          tpu.enqueue_indirect_dma source(%arg9 : memref<128x128xf32, #tpu.memory_space<vmem>>) target(%dma_start3A_87 : memref<10240x128xf32, #tpu.memory_space<vmem_shared>>) offsets(%dma_start3A_84 : memref<128xi32, #tpu.memory_space<vmem>>) semaphore(%run_scoped3A : memref<!tpu.dma_semaphore, #tpu.memory_space<semaphore_mem>>) {add = true}
          %dma_wait3A_88 = arith.constant 0 : i32
          %dma_wait3A_89 = tpu.memref_slice %arg7[%add3A_80, %dma_wait3A_88] : memref<8x128xi32, #tpu.memory_space<vmem>> -> memref<1x128xi32, #tpu.memory_space<vmem>>
          %dma_wait3A_90 = tpu.memref_squeeze %dma_wait3A_89 : memref<1x128xi32, #tpu.memory_space<vmem>> -> memref<128xi32, #tpu.memory_space<vmem>>
          %dma_wait3A_91 = arith.constant 0 : i32
          %dma_wait3A_92 = arith.constant 0 : i32
          %dma_wait3A_93 = tpu.memref_slice %arg10[%dma_wait3A_91, %dma_wait3A_92] : memref<10240x128xf32, #tpu.memory_space<vmem_shared>> -> memref<10240x128xf32, #tpu.memory_space<vmem_shared>>
          tpu.wait_indirect_dma semaphore(%run_scoped3A : memref<!tpu.dma_semaphore, #tpu.memory_space<semaphore_mem>>) src(%arg9 : memref<128x128xf32, #tpu.memory_space<vmem>>) dst(%dma_wait3A_93 : memref<10240x128xf32, #tpu.memory_space<vmem_shared>>)
          tpu.yield
        }) : () -> ()
        %scan3A_81 = arith.constant 0 : i32
        scf.yield %scan3A_81 : i32
      }
      %scan3A_48 = arith.constant 4 : i32
      %while3A_49 = arith.constant 0 : i32
      scf.yield %while3A_49 : i32
    }
    %barrier3A_24 = arith.constant 0 : index
    tpu.barrier barrier_id(%barrier3A_24)
    %mul3A_25 = arith.constant 640 : i32
    %mul3A_26 = arith.muli %arg1, %mul3A_25 : i32
    %mul3A_27 = arith.constant 640 : i32
    %mul3A_28 = arith.muli %arg1, %mul3A_27 : i32
    "tpu.region"() ({
      %run_scoped3A = tpu.sem_alloc : memref<!tpu.dma_semaphore, #tpu.memory_space<semaphore_mem>>
      %dma_start3A = arith.constant 0 : i32
      %dma_start3A_29 = tpu.memref_slice %arg5[%arg0, %mul3A_28, %dma_start3A] : memref<2x10240x128xf32, #tpu.memory_space<hbm>> -> memref<1x640x128xf32, #tpu.memory_space<hbm>>
      %dma_start3A_30 = tpu.memref_squeeze %dma_start3A_29 : memref<1x640x128xf32, #tpu.memory_space<hbm>> -> memref<640x128xf32, #tpu.memory_space<hbm>>
      %dma_start3A_31 = arith.constant 0 : i32
      %dma_start3A_32 = tpu.memref_slice %arg10[%mul3A_26, %dma_start3A_31] : memref<10240x128xf32, #tpu.memory_space<vmem_shared>> -> memref<640x128xf32, #tpu.memory_space<vmem_shared>>
      tpu.enqueue_dma source(%dma_start3A_32 : memref<640x128xf32, #tpu.memory_space<vmem_shared>>) target(%dma_start3A_30 : memref<640x128xf32, #tpu.memory_space<hbm>>) target_semaphore(%run_scoped3A : memref<!tpu.dma_semaphore, #tpu.memory_space<semaphore_mem>>)
      %dma_wait3A = arith.constant 0 : i32
      %dma_wait3A_33 = tpu.memref_slice %arg5[%arg0, %mul3A_28, %dma_wait3A] : memref<2x10240x128xf32, #tpu.memory_space<hbm>> -> memref<1x640x128xf32, #tpu.memory_space<hbm>>
      %dma_wait3A_34 = tpu.memref_squeeze %dma_wait3A_33 : memref<1x640x128xf32, #tpu.memory_space<hbm>> -> memref<640x128xf32, #tpu.memory_space<hbm>>
      %dma_wait3A_35 = arith.constant 0 : i32
      %dma_wait3A_36 = tpu.memref_slice %arg10[%mul3A_26, %dma_wait3A_35] : memref<10240x128xf32, #tpu.memory_space<vmem_shared>> -> memref<640x128xf32, #tpu.memory_space<vmem_shared>>
      tpu.wait_dma2 semaphore(%run_scoped3A : memref<!tpu.dma_semaphore, #tpu.memory_space<semaphore_mem>>) src(%dma_wait3A_36 : memref<640x128xf32, #tpu.memory_space<vmem_shared>>) dst(%dma_wait3A_34 : memref<640x128xf32, #tpu.memory_space<hbm>>)
      tpu.yield
    }) : () -> ()
    return
  }
}

#map = affine_map<(d0, d1) -> (0)>
module attributes {stable_mosaic.version = 14 : i64} {
  func.func @_deg_kernel(%arg0: i32, %arg1: i32, %arg2: memref<320000xi32, #tpu.memory_space<hbm>>, %arg3: memref<10240xf32, #tpu.memory_space<hbm>>, %arg4: memref<327680xf32, #tpu.memory_space<hbm>>, %arg5: memref<10240xf32, #tpu.memory_space<vmem>>, %arg6: memref<10000xi32, #tpu.memory_space<vmem>>) attributes {dimension_semantics = [#tpu.dimension_semantics<core_parallel>, #tpu.dimension_semantics<subcore_parallel>], iteration_bounds = array<i64: 2, 16>, scalar_prefetch = 0 : i64, scratch_operands = 2 : i64, tpu.core_type = #tpu.core_type<sc_vector_subcore>, window_params = [{transform_indices = #map}, {transform_indices = #map}, {transform_indices = #map}]} {
    %mul3A = arith.constant 16 : i32
    %mul3A_0 = arith.muli %arg0, %mul3A : i32
    %add3A = arith.addi %mul3A_0, %arg1 : i32
    "tpu.region"() ({
      %run_scoped3A = tpu.sem_alloc : memref<!tpu.dma_semaphore, #tpu.memory_space<semaphore_mem>>
      tpu.enqueue_dma source(%arg3 : memref<10240xf32, #tpu.memory_space<hbm>>) target(%arg5 : memref<10240xf32, #tpu.memory_space<vmem>>) target_semaphore(%run_scoped3A : memref<!tpu.dma_semaphore, #tpu.memory_space<semaphore_mem>>)
      tpu.wait_dma2 semaphore(%run_scoped3A : memref<!tpu.dma_semaphore, #tpu.memory_space<semaphore_mem>>) src(%arg3 : memref<10240xf32, #tpu.memory_space<hbm>>) dst(%arg5 : memref<10240xf32, #tpu.memory_space<vmem>>)
      tpu.yield
    }) : () -> ()
    %mul3A_1 = arith.constant 10000 : i32
    %mul3A_2 = arith.muli %add3A, %mul3A_1 : i32
    "tpu.region"() ({
      %run_scoped3A = tpu.sem_alloc : memref<!tpu.dma_semaphore, #tpu.memory_space<semaphore_mem>>
      %dma_start3A = arith.constant 0 : i32
      %dma_start3A_12 = tpu.memref_slice %arg6[%dma_start3A] : memref<10000xi32, #tpu.memory_space<vmem>> -> memref<10000xi32, #tpu.memory_space<vmem>>
      %dma_start3A_13 = tpu.memref_slice %arg2[%mul3A_2] : memref<320000xi32, #tpu.memory_space<hbm>> -> memref<10000xi32, #tpu.memory_space<hbm>>
      %dma_start3A_14 = arith.constant 0 : i32
      %dma_start3A_15 = tpu.memref_slice %arg6[%dma_start3A_14] : memref<10000xi32, #tpu.memory_space<vmem>> -> memref<10000xi32, #tpu.memory_space<vmem>>
      %dma_start3A_16 = tpu.memref_slice %arg2[%mul3A_2] : memref<320000xi32, #tpu.memory_space<hbm>> -> memref<10000xi32, #tpu.memory_space<hbm>>
      tpu.enqueue_dma source(%dma_start3A_16 : memref<10000xi32, #tpu.memory_space<hbm>>) target(%dma_start3A_15 : memref<10000xi32, #tpu.memory_space<vmem>>) target_semaphore(%run_scoped3A : memref<!tpu.dma_semaphore, #tpu.memory_space<semaphore_mem>>)
      %dma_wait3A = arith.constant 0 : i32
      %dma_wait3A_17 = tpu.memref_slice %arg6[%dma_wait3A] : memref<10000xi32, #tpu.memory_space<vmem>> -> memref<10000xi32, #tpu.memory_space<vmem>>
      %dma_wait3A_18 = tpu.memref_slice %arg2[%mul3A_2] : memref<320000xi32, #tpu.memory_space<hbm>> -> memref<10000xi32, #tpu.memory_space<hbm>>
      %dma_wait3A_19 = arith.constant 0 : i32
      %dma_wait3A_20 = tpu.memref_slice %arg6[%dma_wait3A_19] : memref<10000xi32, #tpu.memory_space<vmem>> -> memref<10000xi32, #tpu.memory_space<vmem>>
      %dma_wait3A_21 = tpu.memref_slice %arg2[%mul3A_2] : memref<320000xi32, #tpu.memory_space<hbm>> -> memref<10000xi32, #tpu.memory_space<hbm>>
      tpu.wait_dma2 semaphore(%run_scoped3A : memref<!tpu.dma_semaphore, #tpu.memory_space<semaphore_mem>>) src(%dma_wait3A_21 : memref<10000xi32, #tpu.memory_space<hbm>>) dst(%dma_wait3A_20 : memref<10000xi32, #tpu.memory_space<vmem>>)
      tpu.yield
    }) : () -> ()
    %broadcast_in_dim3A = arith.constant 1.000000e+00 : f32
    %broadcast_in_dim3A_3 = vector.broadcast %broadcast_in_dim3A : f32 to vector<16xf32>
    %scan3A = arith.constant 0 : i32
    %scan3A_4 = arith.constant 0 : i32
    %scan3A_5 = arith.constant 625 : i32
    %scan3A_6 = arith.addi %scan3A_4, %scan3A_5 : i32
    %scan3A_7 = arith.constant 1 : i32
    %scan3A_8 = scf.for %scan3A_12 = %scan3A_4 to %scan3A_6 step %scan3A_7 iter_args(%scan3A_13 = %scan3A) -> (i32)  : i32 {
      %mul3A_14 = arith.constant 16 : i32
      %mul3A_15 = arith.muli %scan3A_12, %mul3A_14 : i32
      %get3A = arith.index_cast %mul3A_15 : i32 to index
      %get3A_16 = tpu.vector_load %arg6[%get3A] {strides = array<i32>} : memref<10000xi32, #tpu.memory_space<vmem>>, vector<16xi32>,
      tpu.vector_store_idx %arg5[%get3A_16], %broadcast_in_dim3A_3 {add = true} : memref<10240xf32, #tpu.memory_space<vmem>>[vector<16xi32>], vector<16xf32>,
      %scan3A_17 = arith.constant 0 : i32
      scf.yield %scan3A_17 : i32
    }
    %scan3A_9 = arith.constant 625 : i32
    %mul3A_10 = arith.constant 10240 : i32
    %mul3A_11 = arith.muli %add3A, %mul3A_10 : i32
    "tpu.region"() ({
      %run_scoped3A = tpu.sem_alloc : memref<!tpu.dma_semaphore, #tpu.memory_space<semaphore_mem>>
      %dma_start3A = tpu.memref_slice %arg4[%mul3A_11] : memref<327680xf32, #tpu.memory_space<hbm>> -> memref<10240xf32, #tpu.memory_space<hbm>>
      %dma_start3A_12 = tpu.memref_slice %arg4[%mul3A_11] : memref<327680xf32, #tpu.memory_space<hbm>> -> memref<10240xf32, #tpu.memory_space<hbm>>
      tpu.enqueue_dma source(%arg5 : memref<10240xf32, #tpu.memory_space<vmem>>) target(%dma_start3A_12 : memref<10240xf32, #tpu.memory_space<hbm>>) target_semaphore(%run_scoped3A : memref<!tpu.dma_semaphore, #tpu.memory_space<semaphore_mem>>)
      %dma_wait3A = tpu.memref_slice %arg4[%mul3A_11] : memref<327680xf32, #tpu.memory_space<hbm>> -> memref<10240xf32, #tpu.memory_space<hbm>>
      %dma_wait3A_13 = tpu.memref_slice %arg4[%mul3A_11] : memref<327680xf32, #tpu.memory_space<hbm>> -> memref<10240xf32, #tpu.memory_space<hbm>>
      tpu.wait_dma2 semaphore(%run_scoped3A : memref<!tpu.dma_semaphore, #tpu.memory_space<semaphore_mem>>) src(%arg5 : memref<10240xf32, #tpu.memory_space<vmem>>) dst(%dma_wait3A_13 : memref<10240xf32, #tpu.memory_space<hbm>>)
      tpu.yield
    }) : () -> ()
    return
  }
}

#map = affine_map<(d0, d1) -> (0, 0)>
#map1 = affine_map<(d0, d1) -> (0, 0, 0)>
module attributes {stable_mosaic.version = 14 : i64} {
  func.func @_agg_kernel(%arg0: i32, %arg1: i32, %arg2: memref<10240x128xf32, #tpu.memory_space<hbm>>, %arg3: memref<2560x128xi32, #tpu.memory_space<hbm>>, %arg4: memref<2560x128xi32, #tpu.memory_space<hbm>>, %arg5: memref<2x10240x128xf32, #tpu.memory_space<hbm>>, %arg6: memref<8x128xi32, #tpu.memory_space<vmem>>, %arg7: memref<8x128xi32, #tpu.memory_space<vmem>>, %arg8: memref<128x128xf32, #tpu.memory_space<vmem>>, %arg9: memref<128x128xf32, #tpu.memory_space<vmem>>, %arg10: memref<10240x128xf32, #tpu.memory_space<vmem_shared>>, %arg11: memref<!tpu.dma_semaphore, #tpu.memory_space<semaphore_mem>>, %arg12: memref<!tpu.dma_semaphore, #tpu.memory_space<semaphore_mem>>) attributes {dimension_semantics = [#tpu.dimension_semantics<core_parallel>, #tpu.dimension_semantics<subcore_parallel>], iteration_bounds = array<i64: 2, 16>, scalar_prefetch = 0 : i64, scratch_operands = 7 : i64, tpu.core_type = #tpu.core_type<sc_vector_subcore>, window_params = [{transform_indices = #map}, {transform_indices = #map}, {transform_indices = #map}, {transform_indices = #map1}]} {
    %mul3A = arith.constant 640 : i32
    %mul3A_0 = arith.muli %arg1, %mul3A : i32
    %mul3A_1 = arith.constant 640 : i32
    %mul3A_2 = arith.muli %arg1, %mul3A_1 : i32
    "tpu.region"() ({
      %run_scoped3A = tpu.sem_alloc : memref<!tpu.dma_semaphore, #tpu.memory_space<semaphore_mem>>
      %dma_start3A = arith.constant 0 : i32
      %dma_start3A_29 = tpu.memref_slice %arg10[%mul3A_2, %dma_start3A] : memref<10240x128xf32, #tpu.memory_space<vmem_shared>> -> memref<640x128xf32, #tpu.memory_space<vmem_shared>>
      %dma_start3A_30 = arith.constant 0 : i32
      %dma_start3A_31 = tpu.memref_slice %arg2[%mul3A_0, %dma_start3A_30] : memref<10240x128xf32, #tpu.memory_space<hbm>> -> memref<640x128xf32, #tpu.memory_space<hbm>>
      tpu.enqueue_dma source(%dma_start3A_31 : memref<640x128xf32, #tpu.memory_space<hbm>>) target(%dma_start3A_29 : memref<640x128xf32, #tpu.memory_space<vmem_shared>>) target_semaphore(%run_scoped3A : memref<!tpu.dma_semaphore, #tpu.memory_space<semaphore_mem>>)
      %dma_wait3A = arith.constant 0 : i32
      %dma_wait3A_32 = tpu.memref_slice %arg10[%mul3A_2, %dma_wait3A] : memref<10240x128xf32, #tpu.memory_space<vmem_shared>> -> memref<640x128xf32, #tpu.memory_space<vmem_shared>>
      %dma_wait3A_33 = arith.constant 0 : i32
      %dma_wait3A_34 = tpu.memref_slice %arg2[%mul3A_0, %dma_wait3A_33] : memref<10240x128xf32, #tpu.memory_space<hbm>> -> memref<640x128xf32, #tpu.memory_space<hbm>>
      tpu.wait_dma2 semaphore(%run_scoped3A : memref<!tpu.dma_semaphore, #tpu.memory_space<semaphore_mem>>) src(%dma_wait3A_34 : memref<640x128xf32, #tpu.memory_space<hbm>>) dst(%dma_wait3A_32 : memref<640x128xf32, #tpu.memory_space<vmem_shared>>)
      tpu.yield
    }) : () -> ()
    %barrier3A = arith.constant 0 : index
    tpu.barrier barrier_id(%barrier3A)
    %eq3A = arith.constant 0 : i32
    %eq3A_3 = arith.cmpi eq, %arg0, %eq3A : i32
    %mul3A_4 = arith.constant 152 : i32
    %mul3A_5 = arith.muli %arg1, %mul3A_4 : i32
    %mul3A_6 = arith.constant 8 : i32
    %mul3A_7 = arith.muli %arg1, %mul3A_6 : i32
    %add3A = arith.constant 2432 : i32
    %add3A_8 = arith.addi %add3A, %mul3A_7 : i32
    %select_n3A = arith.select %eq3A_3, %mul3A_5, %add3A_8 : i32
    %eq3A_9 = arith.constant 0 : i32
    %eq3A_10 = arith.cmpi eq, %arg0, %eq3A_9 : i32
    %jit3A = arith.constant 19 : i32
    %jit3A_11 = arith.constant 1 : i32
    %select_n3A_12 = arith.select %eq3A_10, %jit3A, %jit3A_11 : i32
    %while3A = arith.constant 0 : i32
    %while3A_13 = arith.constant 0 : i32
    %while3A_14 = arith.subi %select_n3A_12, %while3A : i32
    %while3A_15 = arith.addi %while3A, %while3A_14 : i32
    %while3A_16 = arith.constant 1 : i32
    %while3A_17 = arith.divsi %while3A_14, %while3A_16 : i32
    %while3A_18 = arith.muli %while3A_17, %while3A_16 : i32
    %while3A_19 = arith.addi %while3A, %while3A_18 : i32
    %while3A_20 = arith.constant 1 : i32
    %while3A_21 = scf.for %while3A_29 = %while3A to %while3A_19 step %while3A_20 iter_args(%while3A_30 = %while3A_13) -> (i32)  : i32 {
      %mul3A_31 = arith.constant 8 : i32
      %mul3A_32 = arith.muli %while3A_29, %mul3A_31 : i32
      %add3A_33 = arith.addi %select_n3A, %mul3A_32 : i32
      "tpu.region"() ({
        %run_scoped3A = tpu.sem_alloc : memref<!tpu.dma_semaphore, #tpu.memory_space<semaphore_mem>>
        %dma_start3A_50 = arith.constant 0 : i32
        %dma_start3A_51 = tpu.memref_slice %arg3[%add3A_33, %dma_start3A_50] : memref<2560x128xi32, #tpu.memory_space<hbm>> -> memref<8x128xi32, #tpu.memory_space<hbm>>
        %dma_start3A_52 = arith.constant 0 : i32
        %dma_start3A_53 = tpu.memref_slice %arg3[%add3A_33, %dma_start3A_52] : memref<2560x128xi32, #tpu.memory_space<hbm>> -> memref<8x128xi32, #tpu.memory_space<hbm>>
        tpu.enqueue_dma source(%dma_start3A_53 : memref<8x128xi32, #tpu.memory_space<hbm>>) target(%arg6 : memref<8x128xi32, #tpu.memory_space<vmem>>) target_semaphore(%run_scoped3A : memref<!tpu.dma_semaphore, #tpu.memory_space<semaphore_mem>>)
        %dma_wait3A = arith.constant 0 : i32
        %dma_wait3A_54 = tpu.memref_slice %arg3[%add3A_33, %dma_wait3A] : memref<2560x128xi32, #tpu.memory_space<hbm>> -> memref<8x128xi32, #tpu.memory_space<hbm>>
        %dma_wait3A_55 = arith.constant 0 : i32
        %dma_wait3A_56 = tpu.memref_slice %arg3[%add3A_33, %dma_wait3A_55] : memref<2560x128xi32, #tpu.memory_space<hbm>> -> memref<8x128xi32, #tpu.memory_space<hbm>>
        tpu.wait_dma2 semaphore(%run_scoped3A : memref<!tpu.dma_semaphore, #tpu.memory_space<semaphore_mem>>) src(%dma_wait3A_56 : memref<8x128xi32, #tpu.memory_space<hbm>>) dst(%arg6 : memref<8x128xi32, #tpu.memory_space<vmem>>)
        tpu.yield
      }) : () -> ()
      %mul3A_34 = arith.constant 8 : i32
      %mul3A_35 = arith.muli %while3A_29, %mul3A_34 : i32
      %add3A_36 = arith.addi %select_n3A, %mul3A_35 : i32
      "tpu.region"() ({
        %run_scoped3A = tpu.sem_alloc : memref<!tpu.dma_semaphore, #tpu.memory_space<semaphore_mem>>
        %dma_start3A_50 = arith.constant 0 : i32
        %dma_start3A_51 = tpu.memref_slice %arg4[%add3A_36, %dma_start3A_50] : memref<2560x128xi32, #tpu.memory_space<hbm>> -> memref<8x128xi32, #tpu.memory_space<hbm>>
        %dma_start3A_52 = arith.constant 0 : i32
        %dma_start3A_53 = tpu.memref_slice %arg4[%add3A_36, %dma_start3A_52] : memref<2560x128xi32, #tpu.memory_space<hbm>> -> memref<8x128xi32, #tpu.memory_space<hbm>>
        tpu.enqueue_dma source(%dma_start3A_53 : memref<8x128xi32, #tpu.memory_space<hbm>>) target(%arg7 : memref<8x128xi32, #tpu.memory_space<vmem>>) target_semaphore(%run_scoped3A : memref<!tpu.dma_semaphore, #tpu.memory_space<semaphore_mem>>)
        %dma_wait3A = arith.constant 0 : i32
        %dma_wait3A_54 = tpu.memref_slice %arg4[%add3A_36, %dma_wait3A] : memref<2560x128xi32, #tpu.memory_space<hbm>> -> memref<8x128xi32, #tpu.memory_space<hbm>>
        %dma_wait3A_55 = arith.constant 0 : i32
        %dma_wait3A_56 = tpu.memref_slice %arg4[%add3A_36, %dma_wait3A_55] : memref<2560x128xi32, #tpu.memory_space<hbm>> -> memref<8x128xi32, #tpu.memory_space<hbm>>
        tpu.wait_dma2 semaphore(%run_scoped3A : memref<!tpu.dma_semaphore, #tpu.memory_space<semaphore_mem>>) src(%dma_wait3A_56 : memref<8x128xi32, #tpu.memory_space<hbm>>) dst(%arg7 : memref<8x128xi32, #tpu.memory_space<vmem>>)
        tpu.yield
      }) : () -> ()
      %dma_start3A = arith.constant 0 : i32
      %dma_start3A_37 = arith.constant 0 : i32
      %dma_start3A_38 = tpu.memref_slice %arg6[%dma_start3A, %dma_start3A_37] : memref<8x128xi32, #tpu.memory_space<vmem>> -> memref<1x128xi32, #tpu.memory_space<vmem>>
      %dma_start3A_39 = tpu.memref_squeeze %dma_start3A_38 : memref<1x128xi32, #tpu.memory_space<vmem>> -> memref<128xi32, #tpu.memory_space<vmem>>
      %dma_start3A_40 = arith.constant 0 : i32
      %dma_start3A_41 = arith.constant 0 : i32
      %dma_start3A_42 = tpu.memref_slice %arg2[%dma_start3A_40, %dma_start3A_41] : memref<10240x128xf32, #tpu.memory_space<hbm>> -> memref<10240x128xf32, #tpu.memory_space<hbm>>
      tpu.enqueue_indirect_dma source(%dma_start3A_42 : memref<10240x128xf32, #tpu.memory_space<hbm>>) target(%arg8 : memref<128x128xf32, #tpu.memory_space<vmem>>) offsets(%dma_start3A_39 : memref<128xi32, #tpu.memory_space<vmem>>) semaphore(%arg11 : memref<!tpu.dma_semaphore, #tpu.memory_space<semaphore_mem>>)
      %scan3A = arith.constant 0 : i32
      %scan3A_43 = arith.constant 0 : i32
      %scan3A_44 = arith.constant 4 : i32
      %scan3A_45 = arith.addi %scan3A_43, %scan3A_44 : i32
      %scan3A_46 = arith.constant 1 : i32
      %scan3A_47 = scf.for %scan3A_50 = %scan3A_43 to %scan3A_45 step %scan3A_46 iter_args(%scan3A_51 = %scan3A) -> (i32)  : i32 {
        %mul3A_52 = arith.constant 2 : i32
        %mul3A_53 = arith.muli %mul3A_52, %scan3A_50 : i32
        %add3A_54 = arith.constant 1 : i32
        %add3A_55 = arith.addi %mul3A_53, %add3A_54 : i32
        %dma_start3A_56 = arith.constant 0 : i32
        %dma_start3A_57 = tpu.memref_slice %arg6[%add3A_55, %dma_start3A_56] : memref<8x128xi32, #tpu.memory_space<vmem>> -> memref<1x128xi32, #tpu.memory_space<vmem>>
        %dma_start3A_58 = tpu.memref_squeeze %dma_start3A_57 : memref<1x128xi32, #tpu.memory_space<vmem>> -> memref<128xi32, #tpu.memory_space<vmem>>
        %dma_start3A_59 = arith.constant 0 : i32
        %dma_start3A_60 = arith.constant 0 : i32
        %dma_start3A_61 = tpu.memref_slice %arg2[%dma_start3A_59, %dma_start3A_60] : memref<10240x128xf32, #tpu.memory_space<hbm>> -> memref<10240x128xf32, #tpu.memory_space<hbm>>
        tpu.enqueue_indirect_dma source(%dma_start3A_61 : memref<10240x128xf32, #tpu.memory_space<hbm>>) target(%arg9 : memref<128x128xf32, #tpu.memory_space<vmem>>) offsets(%dma_start3A_58 : memref<128xi32, #tpu.memory_space<vmem>>) semaphore(%arg12 : memref<!tpu.dma_semaphore, #tpu.memory_space<semaphore_mem>>)
        %dma_wait3A = arith.constant 0 : i32
        %dma_wait3A_62 = tpu.memref_slice %arg6[%mul3A_53, %dma_wait3A] : memref<8x128xi32, #tpu.memory_space<vmem>> -> memref<1x128xi32, #tpu.memory_space<vmem>>
        %dma_wait3A_63 = tpu.memref_squeeze %dma_wait3A_62 : memref<1x128xi32, #tpu.memory_space<vmem>> -> memref<128xi32, #tpu.memory_space<vmem>>
        %dma_wait3A_64 = arith.constant 0 : i32
        %dma_wait3A_65 = arith.constant 0 : i32
        %dma_wait3A_66 = tpu.memref_slice %arg2[%dma_wait3A_64, %dma_wait3A_65] : memref<10240x128xf32, #tpu.memory_space<hbm>> -> memref<10240x128xf32, #tpu.memory_space<hbm>>
        tpu.wait_indirect_dma semaphore(%arg11 : memref<!tpu.dma_semaphore, #tpu.memory_space<semaphore_mem>>) src(%dma_wait3A_66 : memref<10240x128xf32, #tpu.memory_space<hbm>>) dst(%arg8 : memref<128x128xf32, #tpu.memory_space<vmem>>)
        "tpu.region"() ({
          %run_scoped3A = tpu.sem_alloc : memref<!tpu.dma_semaphore, #tpu.memory_space<semaphore_mem>>
          %dma_start3A_82 = arith.constant 0 : i32
          %dma_start3A_83 = tpu.memref_slice %arg7[%mul3A_53, %dma_start3A_82] : memref<8x128xi32, #tpu.memory_space<vmem>> -> memref<1x128xi32, #tpu.memory_space<vmem>>
          %dma_start3A_84 = tpu.memref_squeeze %dma_start3A_83 : memref<1x128xi32, #tpu.memory_space<vmem>> -> memref<128xi32, #tpu.memory_space<vmem>>
          %dma_start3A_85 = arith.constant 0 : i32
          %dma_start3A_86 = arith.constant 0 : i32
          %dma_start3A_87 = tpu.memref_slice %arg10[%dma_start3A_85, %dma_start3A_86] : memref<10240x128xf32, #tpu.memory_space<vmem_shared>> -> memref<10240x128xf32, #tpu.memory_space<vmem_shared>>
          tpu.enqueue_indirect_dma source(%arg8 : memref<128x128xf32, #tpu.memory_space<vmem>>) target(%dma_start3A_87 : memref<10240x128xf32, #tpu.memory_space<vmem_shared>>) offsets(%dma_start3A_84 : memref<128xi32, #tpu.memory_space<vmem>>) semaphore(%run_scoped3A : memref<!tpu.dma_semaphore, #tpu.memory_space<semaphore_mem>>) {add = true}
          %dma_wait3A_88 = arith.constant 0 : i32
          %dma_wait3A_89 = tpu.memref_slice %arg7[%mul3A_53, %dma_wait3A_88] : memref<8x128xi32, #tpu.memory_space<vmem>> -> memref<1x128xi32, #tpu.memory_space<vmem>>
          %dma_wait3A_90 = tpu.memref_squeeze %dma_wait3A_89 : memref<1x128xi32, #tpu.memory_space<vmem>> -> memref<128xi32, #tpu.memory_space<vmem>>
          %dma_wait3A_91 = arith.constant 0 : i32
          %dma_wait3A_92 = arith.constant 0 : i32
          %dma_wait3A_93 = tpu.memref_slice %arg10[%dma_wait3A_91, %dma_wait3A_92] : memref<10240x128xf32, #tpu.memory_space<vmem_shared>> -> memref<10240x128xf32, #tpu.memory_space<vmem_shared>>
          tpu.wait_indirect_dma semaphore(%run_scoped3A : memref<!tpu.dma_semaphore, #tpu.memory_space<semaphore_mem>>) src(%arg8 : memref<128x128xf32, #tpu.memory_space<vmem>>) dst(%dma_wait3A_93 : memref<10240x128xf32, #tpu.memory_space<vmem_shared>>)
          tpu.yield
        }) : () -> ()
        %add3A_67 = arith.constant 2 : i32
        %add3A_68 = arith.addi %mul3A_53, %add3A_67 : i32
        %lt3A = arith.constant 8 : i32
        %lt3A_69 = arith.cmpi slt, %add3A_68, %lt3A : i32
        %convert_element_type3A = arith.extui %lt3A_69 : i1 to i32
        %cond3A = arith.constant 0 : i32
        %cond3A_70 = arith.cmpi ne, %convert_element_type3A, %cond3A : i32
        scf.if %cond3A_70 {
          %add3A_82 = arith.constant 2 : i32
          %add3A_83 = arith.addi %mul3A_53, %add3A_82 : i32
          %dma_start3A_84 = arith.constant 0 : i32
          %dma_start3A_85 = tpu.memref_slice %arg6[%add3A_83, %dma_start3A_84] : memref<8x128xi32, #tpu.memory_space<vmem>> -> memref<1x128xi32, #tpu.memory_space<vmem>>
          %dma_start3A_86 = tpu.memref_squeeze %dma_start3A_85 : memref<1x128xi32, #tpu.memory_space<vmem>> -> memref<128xi32, #tpu.memory_space<vmem>>
          %dma_start3A_87 = arith.constant 0 : i32
          %dma_start3A_88 = arith.constant 0 : i32
          %dma_start3A_89 = tpu.memref_slice %arg2[%dma_start3A_87, %dma_start3A_88] : memref<10240x128xf32, #tpu.memory_space<hbm>> -> memref<10240x128xf32, #tpu.memory_space<hbm>>
          tpu.enqueue_indirect_dma source(%dma_start3A_89 : memref<10240x128xf32, #tpu.memory_space<hbm>>) target(%arg8 : memref<128x128xf32, #tpu.memory_space<vmem>>) offsets(%dma_start3A_86 : memref<128xi32, #tpu.memory_space<vmem>>) semaphore(%arg11 : memref<!tpu.dma_semaphore, #tpu.memory_space<semaphore_mem>>)
        } else {
        }
        %add3A_71 = arith.constant 1 : i32
        %add3A_72 = arith.addi %mul3A_53, %add3A_71 : i32
        %dma_wait3A_73 = arith.constant 0 : i32
        %dma_wait3A_74 = tpu.memref_slice %arg6[%add3A_72, %dma_wait3A_73] : memref<8x128xi32, #tpu.memory_space<vmem>> -> memref<1x128xi32, #tpu.memory_space<vmem>>
        %dma_wait3A_75 = tpu.memref_squeeze %dma_wait3A_74 : memref<1x128xi32, #tpu.memory_space<vmem>> -> memref<128xi32, #tpu.memory_space<vmem>>
        %dma_wait3A_76 = arith.constant 0 : i32
        %dma_wait3A_77 = arith.constant 0 : i32
        %dma_wait3A_78 = tpu.memref_slice %arg2[%dma_wait3A_76, %dma_wait3A_77] : memref<10240x128xf32, #tpu.memory_space<hbm>> -> memref<10240x128xf32, #tpu.memory_space<hbm>>
        tpu.wait_indirect_dma semaphore(%arg12 : memref<!tpu.dma_semaphore, #tpu.memory_space<semaphore_mem>>) src(%dma_wait3A_78 : memref<10240x128xf32, #tpu.memory_space<hbm>>) dst(%arg9 : memref<128x128xf32, #tpu.memory_space<vmem>>)
        %add3A_79 = arith.constant 1 : i32
        %add3A_80 = arith.addi %mul3A_53, %add3A_79 : i32
        "tpu.region"() ({
          %run_scoped3A = tpu.sem_alloc : memref<!tpu.dma_semaphore, #tpu.memory_space<semaphore_mem>>
          %dma_start3A_82 = arith.constant 0 : i32
          %dma_start3A_83 = tpu.memref_slice %arg7[%add3A_80, %dma_start3A_82] : memref<8x128xi32, #tpu.memory_space<vmem>> -> memref<1x128xi32, #tpu.memory_space<vmem>>
          %dma_start3A_84 = tpu.memref_squeeze %dma_start3A_83 : memref<1x128xi32, #tpu.memory_space<vmem>> -> memref<128xi32, #tpu.memory_space<vmem>>
          %dma_start3A_85 = arith.constant 0 : i32
          %dma_start3A_86 = arith.constant 0 : i32
          %dma_start3A_87 = tpu.memref_slice %arg10[%dma_start3A_85, %dma_start3A_86] : memref<10240x128xf32, #tpu.memory_space<vmem_shared>> -> memref<10240x128xf32, #tpu.memory_space<vmem_shared>>
          tpu.enqueue_indirect_dma source(%arg9 : memref<128x128xf32, #tpu.memory_space<vmem>>) target(%dma_start3A_87 : memref<10240x128xf32, #tpu.memory_space<vmem_shared>>) offsets(%dma_start3A_84 : memref<128xi32, #tpu.memory_space<vmem>>) semaphore(%run_scoped3A : memref<!tpu.dma_semaphore, #tpu.memory_space<semaphore_mem>>) {add = true}
          %dma_wait3A_88 = arith.constant 0 : i32
          %dma_wait3A_89 = tpu.memref_slice %arg7[%add3A_80, %dma_wait3A_88] : memref<8x128xi32, #tpu.memory_space<vmem>> -> memref<1x128xi32, #tpu.memory_space<vmem>>
          %dma_wait3A_90 = tpu.memref_squeeze %dma_wait3A_89 : memref<1x128xi32, #tpu.memory_space<vmem>> -> memref<128xi32, #tpu.memory_space<vmem>>
          %dma_wait3A_91 = arith.constant 0 : i32
          %dma_wait3A_92 = arith.constant 0 : i32
          %dma_wait3A_93 = tpu.memref_slice %arg10[%dma_wait3A_91, %dma_wait3A_92] : memref<10240x128xf32, #tpu.memory_space<vmem_shared>> -> memref<10240x128xf32, #tpu.memory_space<vmem_shared>>
          tpu.wait_indirect_dma semaphore(%run_scoped3A : memref<!tpu.dma_semaphore, #tpu.memory_space<semaphore_mem>>) src(%arg9 : memref<128x128xf32, #tpu.memory_space<vmem>>) dst(%dma_wait3A_93 : memref<10240x128xf32, #tpu.memory_space<vmem_shared>>)
          tpu.yield
        }) : () -> ()
        %scan3A_81 = arith.constant 0 : i32
        scf.yield %scan3A_81 : i32
      }
      %scan3A_48 = arith.constant 4 : i32
      %while3A_49 = arith.constant 0 : i32
      scf.yield %while3A_49 : i32
    }
    %while3A_22 = arith.constant 1 : i32
    %while3A_23 = scf.for %while3A_29 = %while3A_19 to %while3A_15 step %while3A_22 iter_args(%while3A_30 = %while3A_21) -> (i32)  : i32 {
      %mul3A_31 = arith.constant 8 : i32
      %mul3A_32 = arith.muli %while3A_29, %mul3A_31 : i32
      %add3A_33 = arith.addi %select_n3A, %mul3A_32 : i32
      "tpu.region"() ({
        %run_scoped3A = tpu.sem_alloc : memref<!tpu.dma_semaphore, #tpu.memory_space<semaphore_mem>>
        %dma_start3A_50 = arith.constant 0 : i32
        %dma_start3A_51 = tpu.memref_slice %arg3[%add3A_33, %dma_start3A_50] : memref<2560x128xi32, #tpu.memory_space<hbm>> -> memref<8x128xi32, #tpu.memory_space<hbm>>
        %dma_start3A_52 = arith.constant 0 : i32
        %dma_start3A_53 = tpu.memref_slice %arg3[%add3A_33, %dma_start3A_52] : memref<2560x128xi32, #tpu.memory_space<hbm>> -> memref<8x128xi32, #tpu.memory_space<hbm>>
        tpu.enqueue_dma source(%dma_start3A_53 : memref<8x128xi32, #tpu.memory_space<hbm>>) target(%arg6 : memref<8x128xi32, #tpu.memory_space<vmem>>) target_semaphore(%run_scoped3A : memref<!tpu.dma_semaphore, #tpu.memory_space<semaphore_mem>>)
        %dma_wait3A = arith.constant 0 : i32
        %dma_wait3A_54 = tpu.memref_slice %arg3[%add3A_33, %dma_wait3A] : memref<2560x128xi32, #tpu.memory_space<hbm>> -> memref<8x128xi32, #tpu.memory_space<hbm>>
        %dma_wait3A_55 = arith.constant 0 : i32
        %dma_wait3A_56 = tpu.memref_slice %arg3[%add3A_33, %dma_wait3A_55] : memref<2560x128xi32, #tpu.memory_space<hbm>> -> memref<8x128xi32, #tpu.memory_space<hbm>>
        tpu.wait_dma2 semaphore(%run_scoped3A : memref<!tpu.dma_semaphore, #tpu.memory_space<semaphore_mem>>) src(%dma_wait3A_56 : memref<8x128xi32, #tpu.memory_space<hbm>>) dst(%arg6 : memref<8x128xi32, #tpu.memory_space<vmem>>)
        tpu.yield
      }) : () -> ()
      %mul3A_34 = arith.constant 8 : i32
      %mul3A_35 = arith.muli %while3A_29, %mul3A_34 : i32
      %add3A_36 = arith.addi %select_n3A, %mul3A_35 : i32
      "tpu.region"() ({
        %run_scoped3A = tpu.sem_alloc : memref<!tpu.dma_semaphore, #tpu.memory_space<semaphore_mem>>
        %dma_start3A_50 = arith.constant 0 : i32
        %dma_start3A_51 = tpu.memref_slice %arg4[%add3A_36, %dma_start3A_50] : memref<2560x128xi32, #tpu.memory_space<hbm>> -> memref<8x128xi32, #tpu.memory_space<hbm>>
        %dma_start3A_52 = arith.constant 0 : i32
        %dma_start3A_53 = tpu.memref_slice %arg4[%add3A_36, %dma_start3A_52] : memref<2560x128xi32, #tpu.memory_space<hbm>> -> memref<8x128xi32, #tpu.memory_space<hbm>>
        tpu.enqueue_dma source(%dma_start3A_53 : memref<8x128xi32, #tpu.memory_space<hbm>>) target(%arg7 : memref<8x128xi32, #tpu.memory_space<vmem>>) target_semaphore(%run_scoped3A : memref<!tpu.dma_semaphore, #tpu.memory_space<semaphore_mem>>)
        %dma_wait3A = arith.constant 0 : i32
        %dma_wait3A_54 = tpu.memref_slice %arg4[%add3A_36, %dma_wait3A] : memref<2560x128xi32, #tpu.memory_space<hbm>> -> memref<8x128xi32, #tpu.memory_space<hbm>>
        %dma_wait3A_55 = arith.constant 0 : i32
        %dma_wait3A_56 = tpu.memref_slice %arg4[%add3A_36, %dma_wait3A_55] : memref<2560x128xi32, #tpu.memory_space<hbm>> -> memref<8x128xi32, #tpu.memory_space<hbm>>
        tpu.wait_dma2 semaphore(%run_scoped3A : memref<!tpu.dma_semaphore, #tpu.memory_space<semaphore_mem>>) src(%dma_wait3A_56 : memref<8x128xi32, #tpu.memory_space<hbm>>) dst(%arg7 : memref<8x128xi32, #tpu.memory_space<vmem>>)
        tpu.yield
      }) : () -> ()
      %dma_start3A = arith.constant 0 : i32
      %dma_start3A_37 = arith.constant 0 : i32
      %dma_start3A_38 = tpu.memref_slice %arg6[%dma_start3A, %dma_start3A_37] : memref<8x128xi32, #tpu.memory_space<vmem>> -> memref<1x128xi32, #tpu.memory_space<vmem>>
      %dma_start3A_39 = tpu.memref_squeeze %dma_start3A_38 : memref<1x128xi32, #tpu.memory_space<vmem>> -> memref<128xi32, #tpu.memory_space<vmem>>
      %dma_start3A_40 = arith.constant 0 : i32
      %dma_start3A_41 = arith.constant 0 : i32
      %dma_start3A_42 = tpu.memref_slice %arg2[%dma_start3A_40, %dma_start3A_41] : memref<10240x128xf32, #tpu.memory_space<hbm>> -> memref<10240x128xf32, #tpu.memory_space<hbm>>
      tpu.enqueue_indirect_dma source(%dma_start3A_42 : memref<10240x128xf32, #tpu.memory_space<hbm>>) target(%arg8 : memref<128x128xf32, #tpu.memory_space<vmem>>) offsets(%dma_start3A_39 : memref<128xi32, #tpu.memory_space<vmem>>) semaphore(%arg11 : memref<!tpu.dma_semaphore, #tpu.memory_space<semaphore_mem>>)
      %scan3A = arith.constant 0 : i32
      %scan3A_43 = arith.constant 0 : i32
      %scan3A_44 = arith.constant 4 : i32
      %scan3A_45 = arith.addi %scan3A_43, %scan3A_44 : i32
      %scan3A_46 = arith.constant 1 : i32
      %scan3A_47 = scf.for %scan3A_50 = %scan3A_43 to %scan3A_45 step %scan3A_46 iter_args(%scan3A_51 = %scan3A) -> (i32)  : i32 {
        %mul3A_52 = arith.constant 2 : i32
        %mul3A_53 = arith.muli %mul3A_52, %scan3A_50 : i32
        %add3A_54 = arith.constant 1 : i32
        %add3A_55 = arith.addi %mul3A_53, %add3A_54 : i32
        %dma_start3A_56 = arith.constant 0 : i32
        %dma_start3A_57 = tpu.memref_slice %arg6[%add3A_55, %dma_start3A_56] : memref<8x128xi32, #tpu.memory_space<vmem>> -> memref<1x128xi32, #tpu.memory_space<vmem>>
        %dma_start3A_58 = tpu.memref_squeeze %dma_start3A_57 : memref<1x128xi32, #tpu.memory_space<vmem>> -> memref<128xi32, #tpu.memory_space<vmem>>
        %dma_start3A_59 = arith.constant 0 : i32
        %dma_start3A_60 = arith.constant 0 : i32
        %dma_start3A_61 = tpu.memref_slice %arg2[%dma_start3A_59, %dma_start3A_60] : memref<10240x128xf32, #tpu.memory_space<hbm>> -> memref<10240x128xf32, #tpu.memory_space<hbm>>
        tpu.enqueue_indirect_dma source(%dma_start3A_61 : memref<10240x128xf32, #tpu.memory_space<hbm>>) target(%arg9 : memref<128x128xf32, #tpu.memory_space<vmem>>) offsets(%dma_start3A_58 : memref<128xi32, #tpu.memory_space<vmem>>) semaphore(%arg12 : memref<!tpu.dma_semaphore, #tpu.memory_space<semaphore_mem>>)
        %dma_wait3A = arith.constant 0 : i32
        %dma_wait3A_62 = tpu.memref_slice %arg6[%mul3A_53, %dma_wait3A] : memref<8x128xi32, #tpu.memory_space<vmem>> -> memref<1x128xi32, #tpu.memory_space<vmem>>
        %dma_wait3A_63 = tpu.memref_squeeze %dma_wait3A_62 : memref<1x128xi32, #tpu.memory_space<vmem>> -> memref<128xi32, #tpu.memory_space<vmem>>
        %dma_wait3A_64 = arith.constant 0 : i32
        %dma_wait3A_65 = arith.constant 0 : i32
        %dma_wait3A_66 = tpu.memref_slice %arg2[%dma_wait3A_64, %dma_wait3A_65] : memref<10240x128xf32, #tpu.memory_space<hbm>> -> memref<10240x128xf32, #tpu.memory_space<hbm>>
        tpu.wait_indirect_dma semaphore(%arg11 : memref<!tpu.dma_semaphore, #tpu.memory_space<semaphore_mem>>) src(%dma_wait3A_66 : memref<10240x128xf32, #tpu.memory_space<hbm>>) dst(%arg8 : memref<128x128xf32, #tpu.memory_space<vmem>>)
        "tpu.region"() ({
          %run_scoped3A = tpu.sem_alloc : memref<!tpu.dma_semaphore, #tpu.memory_space<semaphore_mem>>
          %dma_start3A_82 = arith.constant 0 : i32
          %dma_start3A_83 = tpu.memref_slice %arg7[%mul3A_53, %dma_start3A_82] : memref<8x128xi32, #tpu.memory_space<vmem>> -> memref<1x128xi32, #tpu.memory_space<vmem>>
          %dma_start3A_84 = tpu.memref_squeeze %dma_start3A_83 : memref<1x128xi32, #tpu.memory_space<vmem>> -> memref<128xi32, #tpu.memory_space<vmem>>
          %dma_start3A_85 = arith.constant 0 : i32
          %dma_start3A_86 = arith.constant 0 : i32
          %dma_start3A_87 = tpu.memref_slice %arg10[%dma_start3A_85, %dma_start3A_86] : memref<10240x128xf32, #tpu.memory_space<vmem_shared>> -> memref<10240x128xf32, #tpu.memory_space<vmem_shared>>
          tpu.enqueue_indirect_dma source(%arg8 : memref<128x128xf32, #tpu.memory_space<vmem>>) target(%dma_start3A_87 : memref<10240x128xf32, #tpu.memory_space<vmem_shared>>) offsets(%dma_start3A_84 : memref<128xi32, #tpu.memory_space<vmem>>) semaphore(%run_scoped3A : memref<!tpu.dma_semaphore, #tpu.memory_space<semaphore_mem>>) {add = true}
          %dma_wait3A_88 = arith.constant 0 : i32
          %dma_wait3A_89 = tpu.memref_slice %arg7[%mul3A_53, %dma_wait3A_88] : memref<8x128xi32, #tpu.memory_space<vmem>> -> memref<1x128xi32, #tpu.memory_space<vmem>>
          %dma_wait3A_90 = tpu.memref_squeeze %dma_wait3A_89 : memref<1x128xi32, #tpu.memory_space<vmem>> -> memref<128xi32, #tpu.memory_space<vmem>>
          %dma_wait3A_91 = arith.constant 0 : i32
          %dma_wait3A_92 = arith.constant 0 : i32
          %dma_wait3A_93 = tpu.memref_slice %arg10[%dma_wait3A_91, %dma_wait3A_92] : memref<10240x128xf32, #tpu.memory_space<vmem_shared>> -> memref<10240x128xf32, #tpu.memory_space<vmem_shared>>
          tpu.wait_indirect_dma semaphore(%run_scoped3A : memref<!tpu.dma_semaphore, #tpu.memory_space<semaphore_mem>>) src(%arg8 : memref<128x128xf32, #tpu.memory_space<vmem>>) dst(%dma_wait3A_93 : memref<10240x128xf32, #tpu.memory_space<vmem_shared>>)
          tpu.yield
        }) : () -> ()
        %add3A_67 = arith.constant 2 : i32
        %add3A_68 = arith.addi %mul3A_53, %add3A_67 : i32
        %lt3A = arith.constant 8 : i32
        %lt3A_69 = arith.cmpi slt, %add3A_68, %lt3A : i32
        %convert_element_type3A = arith.extui %lt3A_69 : i1 to i32
        %cond3A = arith.constant 0 : i32
        %cond3A_70 = arith.cmpi ne, %convert_element_type3A, %cond3A : i32
        scf.if %cond3A_70 {
          %add3A_82 = arith.constant 2 : i32
          %add3A_83 = arith.addi %mul3A_53, %add3A_82 : i32
          %dma_start3A_84 = arith.constant 0 : i32
          %dma_start3A_85 = tpu.memref_slice %arg6[%add3A_83, %dma_start3A_84] : memref<8x128xi32, #tpu.memory_space<vmem>> -> memref<1x128xi32, #tpu.memory_space<vmem>>
          %dma_start3A_86 = tpu.memref_squeeze %dma_start3A_85 : memref<1x128xi32, #tpu.memory_space<vmem>> -> memref<128xi32, #tpu.memory_space<vmem>>
          %dma_start3A_87 = arith.constant 0 : i32
          %dma_start3A_88 = arith.constant 0 : i32
          %dma_start3A_89 = tpu.memref_slice %arg2[%dma_start3A_87, %dma_start3A_88] : memref<10240x128xf32, #tpu.memory_space<hbm>> -> memref<10240x128xf32, #tpu.memory_space<hbm>>
          tpu.enqueue_indirect_dma source(%dma_start3A_89 : memref<10240x128xf32, #tpu.memory_space<hbm>>) target(%arg8 : memref<128x128xf32, #tpu.memory_space<vmem>>) offsets(%dma_start3A_86 : memref<128xi32, #tpu.memory_space<vmem>>) semaphore(%arg11 : memref<!tpu.dma_semaphore, #tpu.memory_space<semaphore_mem>>)
        } else {
        }
        %add3A_71 = arith.constant 1 : i32
        %add3A_72 = arith.addi %mul3A_53, %add3A_71 : i32
        %dma_wait3A_73 = arith.constant 0 : i32
        %dma_wait3A_74 = tpu.memref_slice %arg6[%add3A_72, %dma_wait3A_73] : memref<8x128xi32, #tpu.memory_space<vmem>> -> memref<1x128xi32, #tpu.memory_space<vmem>>
        %dma_wait3A_75 = tpu.memref_squeeze %dma_wait3A_74 : memref<1x128xi32, #tpu.memory_space<vmem>> -> memref<128xi32, #tpu.memory_space<vmem>>
        %dma_wait3A_76 = arith.constant 0 : i32
        %dma_wait3A_77 = arith.constant 0 : i32
        %dma_wait3A_78 = tpu.memref_slice %arg2[%dma_wait3A_76, %dma_wait3A_77] : memref<10240x128xf32, #tpu.memory_space<hbm>> -> memref<10240x128xf32, #tpu.memory_space<hbm>>
        tpu.wait_indirect_dma semaphore(%arg12 : memref<!tpu.dma_semaphore, #tpu.memory_space<semaphore_mem>>) src(%dma_wait3A_78 : memref<10240x128xf32, #tpu.memory_space<hbm>>) dst(%arg9 : memref<128x128xf32, #tpu.memory_space<vmem>>)
        %add3A_79 = arith.constant 1 : i32
        %add3A_80 = arith.addi %mul3A_53, %add3A_79 : i32
        "tpu.region"() ({
          %run_scoped3A = tpu.sem_alloc : memref<!tpu.dma_semaphore, #tpu.memory_space<semaphore_mem>>
          %dma_start3A_82 = arith.constant 0 : i32
          %dma_start3A_83 = tpu.memref_slice %arg7[%add3A_80, %dma_start3A_82] : memref<8x128xi32, #tpu.memory_space<vmem>> -> memref<1x128xi32, #tpu.memory_space<vmem>>
          %dma_start3A_84 = tpu.memref_squeeze %dma_start3A_83 : memref<1x128xi32, #tpu.memory_space<vmem>> -> memref<128xi32, #tpu.memory_space<vmem>>
          %dma_start3A_85 = arith.constant 0 : i32
          %dma_start3A_86 = arith.constant 0 : i32
          %dma_start3A_87 = tpu.memref_slice %arg10[%dma_start3A_85, %dma_start3A_86] : memref<10240x128xf32, #tpu.memory_space<vmem_shared>> -> memref<10240x128xf32, #tpu.memory_space<vmem_shared>>
          tpu.enqueue_indirect_dma source(%arg9 : memref<128x128xf32, #tpu.memory_space<vmem>>) target(%dma_start3A_87 : memref<10240x128xf32, #tpu.memory_space<vmem_shared>>) offsets(%dma_start3A_84 : memref<128xi32, #tpu.memory_space<vmem>>) semaphore(%run_scoped3A : memref<!tpu.dma_semaphore, #tpu.memory_space<semaphore_mem>>) {add = true}
          %dma_wait3A_88 = arith.constant 0 : i32
          %dma_wait3A_89 = tpu.memref_slice %arg7[%add3A_80, %dma_wait3A_88] : memref<8x128xi32, #tpu.memory_space<vmem>> -> memref<1x128xi32, #tpu.memory_space<vmem>>
          %dma_wait3A_90 = tpu.memref_squeeze %dma_wait3A_89 : memref<1x128xi32, #tpu.memory_space<vmem>> -> memref<128xi32, #tpu.memory_space<vmem>>
          %dma_wait3A_91 = arith.constant 0 : i32
          %dma_wait3A_92 = arith.constant 0 : i32
          %dma_wait3A_93 = tpu.memref_slice %arg10[%dma_wait3A_91, %dma_wait3A_92] : memref<10240x128xf32, #tpu.memory_space<vmem_shared>> -> memref<10240x128xf32, #tpu.memory_space<vmem_shared>>
          tpu.wait_indirect_dma semaphore(%run_scoped3A : memref<!tpu.dma_semaphore, #tpu.memory_space<semaphore_mem>>) src(%arg9 : memref<128x128xf32, #tpu.memory_space<vmem>>) dst(%dma_wait3A_93 : memref<10240x128xf32, #tpu.memory_space<vmem_shared>>)
          tpu.yield
        }) : () -> ()
        %scan3A_81 = arith.constant 0 : i32
        scf.yield %scan3A_81 : i32
      }
      %scan3A_48 = arith.constant 4 : i32
      %while3A_49 = arith.constant 0 : i32
      scf.yield %while3A_49 : i32
    }
    %barrier3A_24 = arith.constant 0 : index
    tpu.barrier barrier_id(%barrier3A_24)
    %mul3A_25 = arith.constant 640 : i32
    %mul3A_26 = arith.muli %arg1, %mul3A_25 : i32
    %mul3A_27 = arith.constant 640 : i32
    %mul3A_28 = arith.muli %arg1, %mul3A_27 : i32
    "tpu.region"() ({
      %run_scoped3A = tpu.sem_alloc : memref<!tpu.dma_semaphore, #tpu.memory_space<semaphore_mem>>
      %dma_start3A = arith.constant 0 : i32
      %dma_start3A_29 = tpu.memref_slice %arg5[%arg0, %mul3A_28, %dma_start3A] : memref<2x10240x128xf32, #tpu.memory_space<hbm>> -> memref<1x640x128xf32, #tpu.memory_space<hbm>>
      %dma_start3A_30 = tpu.memref_squeeze %dma_start3A_29 : memref<1x640x128xf32, #tpu.memory_space<hbm>> -> memref<640x128xf32, #tpu.memory_space<hbm>>
      %dma_start3A_31 = arith.constant 0 : i32
      %dma_start3A_32 = tpu.memref_slice %arg10[%mul3A_26, %dma_start3A_31] : memref<10240x128xf32, #tpu.memory_space<vmem_shared>> -> memref<640x128xf32, #tpu.memory_space<vmem_shared>>
      tpu.enqueue_dma source(%dma_start3A_32 : memref<640x128xf32, #tpu.memory_space<vmem_shared>>) target(%dma_start3A_30 : memref<640x128xf32, #tpu.memory_space<hbm>>) target_semaphore(%run_scoped3A : memref<!tpu.dma_semaphore, #tpu.memory_space<semaphore_mem>>)
      %dma_wait3A = arith.constant 0 : i32
      %dma_wait3A_33 = tpu.memref_slice %arg5[%arg0, %mul3A_28, %dma_wait3A] : memref<2x10240x128xf32, #tpu.memory_space<hbm>> -> memref<1x640x128xf32, #tpu.memory_space<hbm>>
      %dma_wait3A_34 = tpu.memref_squeeze %dma_wait3A_33 : memref<1x640x128xf32, #tpu.memory_space<hbm>> -> memref<640x128xf32, #tpu.memory_space<hbm>>
      %dma_wait3A_35 = arith.constant 0 : i32
      %dma_wait3A_36 = tpu.memref_slice %arg10[%mul3A_26, %dma_wait3A_35] : memref<10240x128xf32, #tpu.memory_space<vmem_shared>> -> memref<640x128xf32, #tpu.memory_space<vmem_shared>>
      tpu.wait_dma2 semaphore(%run_scoped3A : memref<!tpu.dma_semaphore, #tpu.memory_space<semaphore_mem>>) src(%dma_wait3A_36 : memref<640x128xf32, #tpu.memory_space<vmem_shared>>) dst(%dma_wait3A_34 : memref<640x128xf32, #tpu.memory_space<hbm>>)
      tpu.yield
    }) : () -> ()
    return
  }
}

module attributes {stable_mosaic.version = 14 : i64} {
  func.func @_mm_body(%arg0: i32, %arg1: memref<1000x128xf32, #tpu.memory_space<vmem>>, %arg2: memref<128x128xf32, #tpu.memory_space<vmem>>, %arg3: memref<1000x128xf32, #tpu.memory_space<vmem>>) attributes {dimension_semantics = [#tpu.dimension_semantics<arbitrary>], iteration_bounds = array<i64: 10>, scalar_prefetch = 0 : i64, scratch_operands = 0 : i64, tpu.core_type = #tpu.core_type<tc>, window_params = [{transform_indices = @transform_0, window_bounds = array<i64: 1000, 128>}, {pipeline_mode = #tpu.pipeline_mode<synchronous>, transform_indices = @transform_1, window_bounds = array<i64: 128, 128>}, {transform_indices = @transform_2, window_bounds = array<i64: 1000, 128>}]} {
    %get3A = arith.constant 0 : index
    %get3A_0 = arith.constant 0 : index
    %get3A_1 = vector.load %arg1[%get3A, %get3A_0] : memref<1000x128xf32, #tpu.memory_space<vmem>>, vector<1000x128xf32>
    %get3A_2 = arith.constant 0 : index
    %get3A_3 = arith.constant 0 : index
    %get3A_4 = vector.load %arg2[%get3A_2, %get3A_3] : memref<128x128xf32, #tpu.memory_space<vmem>>, vector<128x128xf32>
    %dot_general3A = arith.constant dense<0.000000e+00> : vector<1000x128xf32>
    %dot_general3A_5 = tpu.matmul %get3A_1, %get3A_4, %dot_general3A {dimension_numbers = #tpu.dot_dimension_numbers<[1], [0], [0], [1], [0, 0, 1, 1], [], []>, transpose_lhs_hint = false} : vector<1000x128xf32>, vector<128x128xf32>, vector<1000x128xf32> -> vector<1000x128xf32>
    %swap3A = arith.constant 0 : index
    %swap3A_6 = arith.constant 0 : index
    %swap3A_7 = vector.load %arg3[%swap3A, %swap3A_6] : memref<1000x128xf32, #tpu.memory_space<vmem>>, vector<1000x128xf32>
    tpu.vector_store %arg3[%swap3A, %swap3A_6], %dot_general3A_5 {strides = array<i32>} : memref<1000x128xf32, #tpu.memory_space<vmem>>, vector<1000x128xf32>,
    return
  }
  func.func @transform_0(%arg0: i32) -> (i32, i32) {
    %c0_i32 = arith.constant 0 : i32
    %c0_i32_0 = arith.constant 0 : i32
    return %arg0, %c0_i32 : i32, i32
  }
  func.func @transform_1(%arg0: i32) -> (i32, i32) {
    %c0_i32 = arith.constant 0 : i32
    %c0_i32_0 = arith.constant 0 : i32
    %c0_i32_1 = arith.constant 0 : i32
    return %c0_i32, %c0_i32_0 : i32, i32
  }
  func.func @transform_2(%arg0: i32) -> (i32, i32) {
    %c0_i32 = arith.constant 0 : i32
    %c0_i32_0 = arith.constant 0 : i32
    return %arg0, %c0_i32 : i32, i32
  }
}

module attributes {stable_mosaic.version = 14 : i64} {
  func.func @_degsum_body(%arg0: i32, %arg1: memref<32x10240xf32, #tpu.memory_space<vmem>>, %arg2: memref<1x10240xf32, #tpu.memory_space<vmem>>) attributes {dimension_semantics = [#tpu.dimension_semantics<arbitrary>], iteration_bounds = array<i64: 1>, scalar_prefetch = 0 : i64, scratch_operands = 0 : i64, tpu.core_type = #tpu.core_type<tc>, window_params = [{pipeline_mode = #tpu.pipeline_mode<synchronous>, transform_indices = @transform_0, window_bounds = array<i64: 32, 10240>}, {pipeline_mode = #tpu.pipeline_mode<synchronous>, transform_indices = @transform_1, window_bounds = array<i64: 1, 10240>}]} {
    %get3A = arith.constant 0 : index
    %get3A_0 = arith.constant 0 : index
    %get3A_1 = vector.load %arg1[%get3A, %get3A_0] : memref<32x10240xf32, #tpu.memory_space<vmem>>, vector<32x10240xf32>
    %reduce_sum3A = arith.constant dense<0.000000e+00> : vector<10240xf32>
    %reduce_sum3A_2 = vector.multi_reduction <add>, %get3A_1, %reduce_sum3A [0] : vector<32x10240xf32> to vector<10240xf32>
    %broadcast_in_dim3A = vector.shape_cast %reduce_sum3A_2 : vector<10240xf32> to vector<1x10240xf32>
    %swap3A = arith.constant 0 : index
    %swap3A_3 = arith.constant 0 : index
    %swap3A_4 = vector.load %arg2[%swap3A, %swap3A_3] : memref<1x10240xf32, #tpu.memory_space<vmem>>, vector<1x10240xf32>
    tpu.vector_store %arg2[%swap3A, %swap3A_3], %broadcast_in_dim3A {strides = array<i32>} : memref<1x10240xf32, #tpu.memory_space<vmem>>, vector<1x10240xf32>,
    return
  }
  func.func @transform_0(%arg0: i32) -> (i32, i32) {
    %c0_i32 = arith.constant 0 : i32
    %c0_i32_0 = arith.constant 0 : i32
    %c0_i32_1 = arith.constant 0 : i32
    return %c0_i32, %c0_i32_0 : i32, i32
  }
  func.func @transform_1(%arg0: i32) -> (i32, i32) {
    %c0_i32 = arith.constant 0 : i32
    %c0_i32_0 = arith.constant 0 : i32
    %c0_i32_1 = arith.constant 0 : i32
    return %c0_i32, %c0_i32_0 : i32, i32
  }
}

module attributes {stable_mosaic.version = 14 : i64} {
  func.func @_prep_body(%arg0: i32, %arg1: memref<1000x128xf32, #tpu.memory_space<vmem>>, %arg2: memref<1000x1xf32, #tpu.memory_space<vmem>>, %arg3: memref<1000x128xf32, #tpu.memory_space<vmem>>, %arg4: memref<1000x1xf32, #tpu.memory_space<vmem>>) attributes {dimension_semantics = [#tpu.dimension_semantics<arbitrary>], iteration_bounds = array<i64: 10>, scalar_prefetch = 0 : i64, scratch_operands = 0 : i64, tpu.core_type = #tpu.core_type<tc>, window_params = [{transform_indices = @transform_0, window_bounds = array<i64: 1000, 128>}, {transform_indices = @transform_1, window_bounds = array<i64: 1000, 1>}, {transform_indices = @transform_2, window_bounds = array<i64: 1000, 128>}, {transform_indices = @transform_3, window_bounds = array<i64: 1000, 1>}]} {
    %get3A = arith.constant 0 : index
    %get3A_0 = arith.constant 0 : index
    %get3A_1 = vector.load %arg2[%get3A, %get3A_0] : memref<1000x1xf32, #tpu.memory_space<vmem>>, vector<1000x1xf32>
    %add3A = arith.constant 1.000000e+00 : f32
    %add3A_2 = vector.broadcast %add3A : f32 to vector<1000x1xf32>
    %add3A_3 = arith.addf %get3A_1, %add3A_2 : vector<1000x1xf32>
    %rsqrt3A = math.rsqrt %add3A_3 : vector<1000x1xf32>
    %swap3A = arith.constant 0 : index
    %swap3A_4 = arith.constant 0 : index
    %swap3A_5 = vector.load %arg4[%swap3A, %swap3A_4] : memref<1000x1xf32, #tpu.memory_space<vmem>>, vector<1000x1xf32>
    tpu.vector_store %arg4[%swap3A, %swap3A_4], %rsqrt3A {strides = array<i32>} : memref<1000x1xf32, #tpu.memory_space<vmem>>, vector<1000x1xf32>,
    %get3A_6 = arith.constant 0 : index
    %get3A_7 = arith.constant 0 : index
    %get3A_8 = vector.load %arg1[%get3A_6, %get3A_7] : memref<1000x128xf32, #tpu.memory_space<vmem>>, vector<1000x128xf32>
    %mul3A = vector.broadcast %rsqrt3A : vector<1000x1xf32> to vector<1000x128xf32>
    %mul3A_9 = arith.mulf %get3A_8, %mul3A : vector<1000x128xf32>
    %swap3A_10 = arith.constant 0 : index
    %swap3A_11 = arith.constant 0 : index
    %swap3A_12 = vector.load %arg3[%swap3A_10, %swap3A_11] : memref<1000x128xf32, #tpu.memory_space<vmem>>, vector<1000x128xf32>
    tpu.vector_store %arg3[%swap3A_10, %swap3A_11], %mul3A_9 {strides = array<i32>} : memref<1000x128xf32, #tpu.memory_space<vmem>>, vector<1000x128xf32>,
    return
  }
  func.func @transform_0(%arg0: i32) -> (i32, i32) {
    %c0_i32 = arith.constant 0 : i32
    %c0_i32_0 = arith.constant 0 : i32
    return %arg0, %c0_i32 : i32, i32
  }
  func.func @transform_1(%arg0: i32) -> (i32, i32) {
    %c0_i32 = arith.constant 0 : i32
    %c0_i32_0 = arith.constant 0 : i32
    return %arg0, %c0_i32 : i32, i32
  }
  func.func @transform_2(%arg0: i32) -> (i32, i32) {
    %c0_i32 = arith.constant 0 : i32
    %c0_i32_0 = arith.constant 0 : i32
    return %arg0, %c0_i32 : i32, i32
  }
  func.func @transform_3(%arg0: i32) -> (i32, i32) {
    %c0_i32 = arith.constant 0 : i32
    %c0_i32_0 = arith.constant 0 : i32
    return %arg0, %c0_i32 : i32, i32
  }
}

module attributes {stable_mosaic.version = 14 : i64} {
  func.func @_mid_body(%arg0: i32, %arg1: memref<1000x128xf32, #tpu.memory_space<vmem>>, %arg2: memref<1000x128xf32, #tpu.memory_space<vmem>>, %arg3: memref<1000x128xf32, #tpu.memory_space<vmem>>, %arg4: memref<1000x1xf32, #tpu.memory_space<vmem>>, %arg5: memref<1x128xf32, #tpu.memory_space<vmem>>, %arg6: memref<128x128xf32, #tpu.memory_space<vmem>>, %arg7: memref<1000x128xf32, #tpu.memory_space<vmem>>) attributes {dimension_semantics = [#tpu.dimension_semantics<arbitrary>], iteration_bounds = array<i64: 10>, scalar_prefetch = 0 : i64, scratch_operands = 0 : i64, tpu.core_type = #tpu.core_type<tc>, window_params = [{transform_indices = @transform_0, window_bounds = array<i64: 1000, 128>}, {transform_indices = @transform_1, window_bounds = array<i64: 1000, 128>}, {transform_indices = @transform_2, window_bounds = array<i64: 1000, 128>}, {transform_indices = @transform_3, window_bounds = array<i64: 1000, 1>}, {pipeline_mode = #tpu.pipeline_mode<synchronous>, transform_indices = @transform_4, window_bounds = array<i64: 1, 128>}, {pipeline_mode = #tpu.pipeline_mode<synchronous>, transform_indices = @transform_5, window_bounds = array<i64: 128, 128>}, {transform_indices = @transform_6, window_bounds = array<i64: 1000, 128>}]} {
    %get3A = arith.constant 0 : index
    %get3A_0 = arith.constant 0 : index
    %get3A_1 = vector.load %arg1[%get3A, %get3A_0] : memref<1000x128xf32, #tpu.memory_space<vmem>>, vector<1000x128xf32>
    %get3A_2 = arith.constant 0 : index
    %get3A_3 = arith.constant 0 : index
    %get3A_4 = vector.load %arg2[%get3A_2, %get3A_3] : memref<1000x128xf32, #tpu.memory_space<vmem>>, vector<1000x128xf32>
    %add3A = arith.addf %get3A_1, %get3A_4 : vector<1000x128xf32>
    %get3A_5 = arith.constant 0 : index
    %get3A_6 = arith.constant 0 : index
    %get3A_7 = vector.load %arg3[%get3A_5, %get3A_6] : memref<1000x128xf32, #tpu.memory_space<vmem>>, vector<1000x128xf32>
    %sub3A = arith.subf %add3A, %get3A_7 : vector<1000x128xf32>
    %get3A_8 = arith.constant 0 : index
    %get3A_9 = arith.constant 0 : index
    %get3A_10 = vector.load %arg4[%get3A_8, %get3A_9] : memref<1000x1xf32, #tpu.memory_space<vmem>>, vector<1000x1xf32>
    %mul3A = vector.broadcast %get3A_10 : vector<1000x1xf32> to vector<1000x128xf32>
    %mul3A_11 = arith.mulf %sub3A, %mul3A : vector<1000x128xf32>
    %get3A_12 = arith.constant 0 : index
    %get3A_13 = arith.constant 0 : index
    %get3A_14 = vector.load %arg5[%get3A_12, %get3A_13] : memref<1x128xf32, #tpu.memory_space<vmem>>, vector<1x128xf32>
    %add3A_15 = vector.broadcast %get3A_14 : vector<1x128xf32> to vector<1000x128xf32>
    %add3A_16 = arith.addf %mul3A_11, %add3A_15 : vector<1000x128xf32>
    %max3A = arith.constant 0.000000e+00 : f32
    %max3A_17 = vector.broadcast %max3A : f32 to vector<1000x128xf32>
    %max3A_18 = arith.maximumf %add3A_16, %max3A_17 : vector<1000x128xf32>
    %get3A_19 = arith.constant 0 : index
    %get3A_20 = arith.constant 0 : index
    %get3A_21 = vector.load %arg6[%get3A_19, %get3A_20] : memref<128x128xf32, #tpu.memory_space<vmem>>, vector<128x128xf32>
    %dot_general3A = arith.constant dense<0.000000e+00> : vector<1000x128xf32>
    %dot_general3A_22 = tpu.matmul %max3A_18, %get3A_21, %dot_general3A {dimension_numbers = #tpu.dot_dimension_numbers<[1], [0], [0], [1], [0, 0, 1, 1], [], []>, transpose_lhs_hint = false} : vector<1000x128xf32>, vector<128x128xf32>, vector<1000x128xf32> -> vector<1000x128xf32>
    %get3A_23 = arith.constant 0 : index
    %get3A_24 = arith.constant 0 : index
    %get3A_25 = vector.load %arg4[%get3A_23, %get3A_24] : memref<1000x1xf32, #tpu.memory_space<vmem>>, vector<1000x1xf32>
    %mul3A_26 = vector.broadcast %get3A_25 : vector<1000x1xf32> to vector<1000x128xf32>
    %mul3A_27 = arith.mulf %dot_general3A_22, %mul3A_26 : vector<1000x128xf32>
    %swap3A = arith.constant 0 : index
    %swap3A_28 = arith.constant 0 : index
    %swap3A_29 = vector.load %arg7[%swap3A, %swap3A_28] : memref<1000x128xf32, #tpu.memory_space<vmem>>, vector<1000x128xf32>
    tpu.vector_store %arg7[%swap3A, %swap3A_28], %mul3A_27 {strides = array<i32>} : memref<1000x128xf32, #tpu.memory_space<vmem>>, vector<1000x128xf32>,
    return
  }
  func.func @transform_0(%arg0: i32) -> (i32, i32) {
    %c0_i32 = arith.constant 0 : i32
    %c0_i32_0 = arith.constant 0 : i32
    return %arg0, %c0_i32 : i32, i32
  }
  func.func @transform_1(%arg0: i32) -> (i32, i32) {
    %c0_i32 = arith.constant 0 : i32
    %c0_i32_0 = arith.constant 0 : i32
    return %arg0, %c0_i32 : i32, i32
  }
  func.func @transform_2(%arg0: i32) -> (i32, i32) {
    %c0_i32 = arith.constant 0 : i32
    %c0_i32_0 = arith.constant 0 : i32
    return %arg0, %c0_i32 : i32, i32
  }
  func.func @transform_3(%arg0: i32) -> (i32, i32) {
    %c0_i32 = arith.constant 0 : i32
    %c0_i32_0 = arith.constant 0 : i32
    return %arg0, %c0_i32 : i32, i32
  }
  func.func @transform_4(%arg0: i32) -> (i32, i32) {
    %c0_i32 = arith.constant 0 : i32
    %c0_i32_0 = arith.constant 0 : i32
    %c0_i32_1 = arith.constant 0 : i32
    return %c0_i32, %c0_i32_0 : i32, i32
  }
  func.func @transform_5(%arg0: i32) -> (i32, i32) {
    %c0_i32 = arith.constant 0 : i32
    %c0_i32_0 = arith.constant 0 : i32
    %c0_i32_1 = arith.constant 0 : i32
    return %c0_i32, %c0_i32_0 : i32, i32
  }
  func.func @transform_6(%arg0: i32) -> (i32, i32) {
    %c0_i32 = arith.constant 0 : i32
    %c0_i32_0 = arith.constant 0 : i32
    return %arg0, %c0_i32 : i32, i32
  }
}

module attributes {stable_mosaic.version = 14 : i64} {
  func.func @_out_body(%arg0: i32, %arg1: memref<1000x128xf32, #tpu.memory_space<vmem>>, %arg2: memref<1000x128xf32, #tpu.memory_space<vmem>>, %arg3: memref<1000x128xf32, #tpu.memory_space<vmem>>, %arg4: memref<1000x1xf32, #tpu.memory_space<vmem>>, %arg5: memref<1x128xf32, #tpu.memory_space<vmem>>, %arg6: memref<1000x128xf32, #tpu.memory_space<vmem>>) attributes {dimension_semantics = [#tpu.dimension_semantics<arbitrary>], iteration_bounds = array<i64: 10>, scalar_prefetch = 0 : i64, scratch_operands = 0 : i64, tpu.core_type = #tpu.core_type<tc>, window_params = [{transform_indices = @transform_0, window_bounds = array<i64: 1000, 128>}, {transform_indices = @transform_1, window_bounds = array<i64: 1000, 128>}, {transform_indices = @transform_2, window_bounds = array<i64: 1000, 128>}, {transform_indices = @transform_3, window_bounds = array<i64: 1000, 1>}, {pipeline_mode = #tpu.pipeline_mode<synchronous>, transform_indices = @transform_4, window_bounds = array<i64: 1, 128>}, {transform_indices = @transform_5, window_bounds = array<i64: 1000, 128>}]} {
    %get3A = arith.constant 0 : index
    %get3A_0 = arith.constant 0 : index
    %get3A_1 = vector.load %arg1[%get3A, %get3A_0] : memref<1000x128xf32, #tpu.memory_space<vmem>>, vector<1000x128xf32>
    %get3A_2 = arith.constant 0 : index
    %get3A_3 = arith.constant 0 : index
    %get3A_4 = vector.load %arg2[%get3A_2, %get3A_3] : memref<1000x128xf32, #tpu.memory_space<vmem>>, vector<1000x128xf32>
    %add3A = arith.addf %get3A_1, %get3A_4 : vector<1000x128xf32>
    %get3A_5 = arith.constant 0 : index
    %get3A_6 = arith.constant 0 : index
    %get3A_7 = vector.load %arg3[%get3A_5, %get3A_6] : memref<1000x128xf32, #tpu.memory_space<vmem>>, vector<1000x128xf32>
    %sub3A = arith.subf %add3A, %get3A_7 : vector<1000x128xf32>
    %get3A_8 = arith.constant 0 : index
    %get3A_9 = arith.constant 0 : index
    %get3A_10 = vector.load %arg4[%get3A_8, %get3A_9] : memref<1000x1xf32, #tpu.memory_space<vmem>>, vector<1000x1xf32>
    %mul3A = vector.broadcast %get3A_10 : vector<1000x1xf32> to vector<1000x128xf32>
    %mul3A_11 = arith.mulf %sub3A, %mul3A : vector<1000x128xf32>
    %get3A_12 = arith.constant 0 : index
    %get3A_13 = arith.constant 0 : index
    %get3A_14 = vector.load %arg5[%get3A_12, %get3A_13] : memref<1x128xf32, #tpu.memory_space<vmem>>, vector<1x128xf32>
    %add3A_15 = vector.broadcast %get3A_14 : vector<1x128xf32> to vector<1000x128xf32>
    %add3A_16 = arith.addf %mul3A_11, %add3A_15 : vector<1000x128xf32>
    %swap3A = arith.constant 0 : index
    %swap3A_17 = arith.constant 0 : index
    %swap3A_18 = vector.load %arg6[%swap3A, %swap3A_17] : memref<1000x128xf32, #tpu.memory_space<vmem>>, vector<1000x128xf32>
    tpu.vector_store %arg6[%swap3A, %swap3A_17], %add3A_16 {strides = array<i32>} : memref<1000x128xf32, #tpu.memory_space<vmem>>, vector<1000x128xf32>,
    return
  }
  func.func @transform_0(%arg0: i32) -> (i32, i32) {
    %c0_i32 = arith.constant 0 : i32
    %c0_i32_0 = arith.constant 0 : i32
    return %arg0, %c0_i32 : i32, i32
  }
  func.func @transform_1(%arg0: i32) -> (i32, i32) {
    %c0_i32 = arith.constant 0 : i32
    %c0_i32_0 = arith.constant 0 : i32
    return %arg0, %c0_i32 : i32, i32
  }
  func.func @transform_2(%arg0: i32) -> (i32, i32) {
    %c0_i32 = arith.constant 0 : i32
    %c0_i32_0 = arith.constant 0 : i32
    return %arg0, %c0_i32 : i32, i32
  }
  func.func @transform_3(%arg0: i32) -> (i32, i32) {
    %c0_i32 = arith.constant 0 : i32
    %c0_i32_0 = arith.constant 0 : i32
    return %arg0, %c0_i32 : i32, i32
  }
  func.func @transform_4(%arg0: i32) -> (i32, i32) {
    %c0_i32 = arith.constant 0 : i32
    %c0_i32_0 = arith.constant 0 : i32
    %c0_i32_1 = arith.constant 0 : i32
    return %c0_i32, %c0_i32_0 : i32, i32
  }
  func.func @transform_5(%arg0: i32) -> (i32, i32) {
    %c0_i32 = arith.constant 0 : i32
    %c0_i32_0 = arith.constant 0 : i32
    return %arg0, %c0_i32 : i32, i32
  }
}

</mosaic_0001>

<sc_bundles>
// kernel: kernel.10.cloned.1.call-start
scs
__scs_entry_jumppad:
0x0: {  	(pc) =	sbr.rel $0x88, $3  }
0x1: {  	(tag) =	ssettag $0x0;
	lr =	simm.s32 $0x1  }
0x2: {  	[smem:$0x3F9B] =	sst lr;
	_ =	strace $0xD0000000  }
0x3: {  	_ = 	snop  }
0x4: {  	_ = 	snop  }
0x5: {  	_ = 	snop  }
0x6: {  	_ = 	snop  }
0x7: {  	_ = 	snop  }
__scs_overlays_trampoline_lowered:
0x8: {  	[smem:$0x3FAA] =	sst s0  }
0x9: {  	[smem:$0x3FAB] =	sst s1  }
0xa: {  	[smem:$0x3FAC] =	sst s2  }
0xb: {  	[smem:$0x3FAD] =	sst s3  }
0xc: {  	[smem:$0x3FAE] =	sst s4  }
0xd: {  	[smem:$0x3FAF] =	sst s5  }
0xe: {  	[smem:$0x3FB0] =	sst s6  }
0xf: {  	[smem:$0x3FB1] =	sst s7  }
0x10: {  	[smem:$0x3FB2] =	sst s8  }
0x11: {  	[smem:$0x3FB3] =	sst s9;
	s0 =	simm.s32 @!p0 $0x0  }
0x12: {  	s1 =	sld [smem:$0x3F99];
	s0 =	simm.s32 @p0 $0x1  }
0x13: {  	[smem:$0x3FB4] =	sst s0;
	s0 =	simm.s32 @!p1 $0x0  }
0x14: {  	s2 =	sld [smem:$0x3F98];
	s0 =	simm.s32 @p1 $0x1  }
0x15: {  	[smem:$0x3FB5] =	sst s0;
	s0 =	simm.s32 @!p2 $0x0  }
0x16: {  	s3 =	sld [smem:$0x3FDB];
	s0 =	simm.s32 @p2 $0x1  }
0x17: {  	s4 =	simm.s32 $0x1BF5;
	[smem:$0x3FB7] =	sst s0  }
0x18: {  	s0 =	sld [smem:$0x3F9A];
	_ =	swait.ge [sflag:s4], $0x0  }
0x19: {  	s7 =	sld [smem:$0x3F9B]  }
0x1a: {  	s8 =	sadd.s32 $0xFFFFE003, lr  }
0x1b: {  	s9 =	sadd.s32 $0xFFFFFEF7, lr;
	s5 =	simm.s32 $0xFFFFFFFF;
	p2 =	slt.u32 s8, $0xFFFFF086  }
0x1c: {  	p1 =	slt.u32 s9, $0xF7A;
	s5 =	simm.s32 @!p2 $0x0  }
0x1d: {  	s5 =	simm.s32 @p1 $0x1;
	p0 =	seq.s32 s7, s2  }
0x1e: {  	s7 =	smul.u32 @!p0 $0xF7A, s2;
	p2 =	seq.s32 @!p0 s5, $0x0  }
0x1f: {  	s9 =	smul.u32 $0xF7A, s1;
	s8 =	simm.s32 @!p0 $0x1BF5;
	p2 =	por !p2, p0  }
0x20: {  	[sflag:s8] =	ssyncset.s32 @!p0 $0xFFFFF086;
	s6 =	sadd.s32 @!p0 s3, s7;
	s7 =	simm.s32 @!p0 $0x108  }
0x21: {  	s3 =	sadd.s32 s3, s9;
	s6 =	sadd.s32 @!p0 $0x88, s6;
	s7 =	simm.s32 @p2 $0x1082  }
0x22: {  	[simem:s7], [sflag:s8] =	dma.local @!p0 [hbm:s6], $0xF7A  }
0x23: {  	s9 =	sor.u32 $0xD0000000, s2;
	s6 =	simm.s32 $0x108;
	_ =	swait.ge @!p0 [sflag:s8], $0x0  }
0x24: {  	s3 =	sadd.s32 $0x88, s3;
	s6 =	simm.s32 @!p1 $0x1082;
	[sflag:s4] =	ssyncset.s32 $0xFFFFF086  }
0x25: {  	[simem:s6], [sflag:s4] =	dma.local [hbm:s3], $0xF7A  }
0x26: {  	[smem:$0x3F9B] =	sst s1;
	(tag) =	ssettag s2;
	_ =	strace s9  }
0x27: {  	s1 =	sld [smem:$0x3FAB]  }
0x28: {  	s2 =	sld [smem:$0x3FAC]  }
0x29: {  	s4 =	sld [smem:$0x3FAE]  }
0x2a: {  	p0 =	seq.s32 s5, $0x0;
	s5 =	sld [smem:$0x3FAF]  }
0x2b: {  	s6 =	sld [smem:$0x3FB0]  }
0x2c: {  	s7 =	sld [smem:$0x3FB1]  }
0x2d: {  	s3 =	simm.s32 $0x108;
	s8 =	sld [smem:$0x3FB2]  }
0x2e: {  	s3 =	simm.s32 @!p0 $0x1082;
	s9 =	sld [smem:$0x3FB3]  }
0x2f: {  	lr =	sadd.s32 s0, s3;
	s0 =	sld [smem:$0x3FAA]  }
0x30: {  	s3 =	sld [smem:$0x3FAD]  }
0x31: {  	[smem:$0x3FB6] =	sst s10  }
0x32: {  	s10 =	sld [smem:$0x3FB4];
	_ =	sdelay $0x3  }
0x33: {  	p0 =	seq.s32 s10, $0x1;
	s10 =	sld [smem:$0x3FB6];
	_ =	sdelay $0x3  }
0x34: {  	[smem:$0x3FB6] =	sst s10  }
0x35: {  	s10 =	sld [smem:$0x3FB5];
	_ =	sdelay $0x3  }
0x36: {  	p1 =	seq.s32 s10, $0x1;
	s10 =	sld [smem:$0x3FB6];
	_ =	sdelay $0x3  }
0x37: {  	[smem:$0x3FB6] =	sst s10  }
0x38: {  	s10 =	sld [smem:$0x3FB7]  }
0x39: {  	_ = 	snop;
	(pc) =	sbr.ind lr, $3  }
0x3a: {  	_ = 	snop  }
0x3b: {  	_ = 	snop  }
0x3c: {  	p2 =	seq.s32 s10, $0x1;
	s10 =	sld [smem:$0x3FB6]  }
0x3d: {  	_ =	shalt  }
0x3e: {  	_ =	shalt  }
0x3f: {  	_ =	shalt  }
0x40: {  	_ =	shalt  }
0x41: {  	_ =	shalt  }
0x42: {  	_ =	shalt  }
0x43: {  	_ =	shalt  }
0x44: {  	_ =	shalt  }
0x45: {  	_ =	shalt  }
0x46: {  	_ =	shalt  }
0x47: {  	_ =	shalt  }
0x48: {  	_ =	shalt  }
0x49: {  	_ =	shalt  }
0x4a: {  	_ =	shalt  }
0x4b: {  	_ =	shalt  }
0x4c: {  	_ =	shalt  }
0x4d: {  	_ =	shalt  }
0x4e: {  	_ =	shalt  }
0x4f: {  	_ =	shalt  }
0x50: {  	_ =	shalt  }
0x51: {  	_ =	shalt  }
0x52: {  	_ =	shalt  }
0x53: {  	_ =	shalt  }
0x54: {  	_ =	shalt  }
0x55: {  	_ =	shalt  }
0x56: {  	_ =	shalt  }
0x57: {  	_ =	shalt  }
0x58: {  	_ =	shalt  }
0x59: {  	_ =	shalt  }
0x5a: {  	_ =	shalt  }
0x5b: {  	_ =	shalt  }
0x5c: {  	_ =	shalt  }
0x5d: {  	_ =	shalt  }
0x5e: {  	_ =	shalt  }
0x5f: {  	_ =	shalt  }
0x60: {  	_ =	shalt  }
0x61: {  	_ =	shalt  }
0x62: {  	_ =	shalt  }
0x63: {  	_ =	shalt  }
0x64: {  	_ =	shalt  }
0x65: {  	_ =	shalt  }
0x66: {  	_ =	shalt  }
0x67: {  	_ =	shalt  }
0x68: {  	_ =	shalt  }
0x69: {  	_ =	shalt  }
0x6a: {  	_ =	shalt  }
0x6b: {  	_ =	shalt  }
0x6c: {  	_ =	shalt  }
0x6d: {  	_ =	shalt  }
0x6e: {  	_ =	shalt  }
0x6f: {  	_ =	shalt  }
0x70: {  	_ =	shalt  }
0x71: {  	_ =	shalt  }
0x72: {  	_ =	shalt  }
0x73: {  	_ =	shalt  }
0x74: {  	_ =	shalt  }
0x75: {  	_ =	shalt  }
0x76: {  	_ =	shalt  }
0x77: {  	_ =	shalt  }
0x78: {  	_ =	shalt  }
0x79: {  	_ =	shalt  }
0x7a: {  	_ =	shalt  }
0x7b: {  	_ =	shalt  }
0x7c: {  	_ =	shalt  }
0x7d: {  	_ =	shalt  }
0x7e: {  	_ =	shalt  }
0x7f: {  	_ =	shalt  }
0x80: {  	_ =	shalt  }
0x81: {  	_ =	shalt  }
0x82: {  	_ =	shalt  }
0x83: {  	_ =	shalt  }
0x84: {  	_ =	shalt  }
0x85: {  	_ =	shalt  }
0x86: {  	_ =	shalt  }
0x87: {  	_ =	shalt  }
.Lfunc_end0:
.L_simem_size_0:
called_computation_lowered:
.L_overlay_start_0:
0x88: {  	s2 =	sld [smem:$0x3FD9]  }
0x89: {  	s3 =	sld [smem:$0x3FFE];
	_ =	sdelay $0x1  }
0x8a: {  	s1 =	srdreg.scid  }
0x8b: {  	s0 =	sand.u32 $0x1, s1  }
0x8c: {  	s17 =	sshll.u32 s0, $0xA;
	s2 =	sadd.s32 s3, s2  }
0x8d: {  	s2 =	sadd.s32 s2, s17  }
0x8e: {  	[smem:$0x3FC2] =	sst s2  }
0x8f: {  	_ = 	snop  }
0x90: {  	s2 =	sld [smem:$0x3FD0];
	(tm) =	ssettm $0x1  }
0x91: {  	s18 =	sld [smem:$0x3FFB];
	_ =	sdelay $0x3  }
0x92: {  	_ =	strace s18  }
0x93: {  	s3 =	sld [smem:$0x3FFC];
	_ =	sdelay $0x3  }
0x94: {  	_ =	strace s3  }
0x95: {  	s3 =	sld [smem:$0x3FFD];
	_ =	sdelay $0x3  }
0x96: {  	_ =	strace s3  }
0x97: {  	_ =	strace $0x8FFFFFFF  }
0x98: {  	s19 =	sld [smem:$0x3FDB];
	_ =	sdelay $0x1  }
0x99: {  	s4 =	simm.s32 $_scs_section_size  }
0x9a: {  	s5 =	simm.s32 $_size__tile_overlayer_lowered;
	s6 =	simm.s32 $_tile_overlayer_lowered  }
0x9b: {  	s22 =	simm.s32 $0x1BFF;
	s21 =	sshll.u32 s6, $0x1;
	s3 =	sadd.s32 s4, s19  }
0x9c: {  	s7 =	simm.s32 $0x0;
	s20 =	sshll.u32 s5, $0x1;
	s5 =	sadd.s32 s21, s3  }
0x9d: {  	[timem:s7], [sflag:s22] =	dma.local [hbm:s5], s20  }
0x9e: {  	_ =	swait.ge [sflag:s22], s20  }
0x9f: {  	s4 =	ssub.s32 $0x0, s20;
	[sflag:s22] =	ssyncset.done $0x0  }
0xa0: {  	[sflag:s22] =	ssyncadd.s32 s4;
	_ =	sdelay $0x1  }
0xa1: {  	s23 =	simm.s32 $0x1B8B  }
0xa2: {  	_ =	swait.ge [sflag:s23], $0x1  }
0xa3: {  	[sflag:s23] =	ssyncset.done $0x0  }
0xa4: {  	s25 =	simm.s32 $0x1B8E;
	s24 =	sld [smem:$0x3FFE];
	[sflag:s23] =	ssyncadd.s32 $0xFFFFFFFF  }
0xa5: {  	s26 =	simm.s32 $execute0_lowered;
	[smem:$0x3FD2] =	sst s25  }
0xa6: {  	s5 =	sshll.u32 s26, $0x1;
	_ =	strace $0x80000046;
	[dreg:$0x1] =	wrdreg $0xFFFFFFFF  }
0xa7: {  	s28 =	simm.s32 $_size_execute0_lowered;
	s3 =	sadd.s32 s3, s5;
	[dreg:$0x0] =	wrdreg $0x0  }
0xa8: {  	s5 =	sshll.u32 s28, $0x1;
	[dreg:$0x2] =	wrdreg s3  }
0xa9: {  	[dreg:$0x3] =	wrdreg s5  }
0xaa: {  	[dreg:$0x4] =	wrdreg $0xC0  }
0xab: {  	_ =	task [dreg:s7], $0x5FFFF  }
0xac: {  	[dreg:$0x1] =	wrdreg $0xFFFFFFFF  }
0xad: {  	[dreg:$0x0] =	wrdreg $0x60  }
0xae: {  	[dreg:$0x2] =	wrdreg s24  }
0xaf: {  	[dreg:$0x3] =	wrdreg s2  }
0xb0: {  	[dreg:$0x4] =	wrdreg $0x9  }
0xb1: {  	_ =	task.clear_ibuf [dreg:s7], $0x5FFFF;
	_ =	strace $0x90000046  }
0xb2: {  	s29 =	simm.s32 $0x9;
	_ =	strace $0x80000048  }
0xb3: {  	_ =	swait.ge [sflag:s29], $0x1  }
0xb4: {  	[sflag:s29] =	ssyncadd.s32 $0xFFFFFFFF  }
0xb5: {  	_ =	strace $0x90000048  }
0xb6: {  	_ =	sfence  }
0xb7: {  	s30 =	sld [smem:$0x0];
	_ =	sdelay $0x2  }
0xb8: {  	s31 =	sshll.u32 s1, $0xD;
	s1 =	sshrl.u32 s1, $0x2  }
0xb9: {  	s3 =	sand.u32 $0x4000, s31;
	s1 =	sadd.s32 s1, s30  }
0xba: {  	s0 =	sor.u32 s3, s0;
	s1 =	sshll.u32 s1, $0x11  }
0xbb: {  	s0 =	sor.u32 s1, s0  }
0xbc: {  	s0 =	sadd.s32 $0x8F2B, s0  }
0xbd: {  	[sflag:s0] =	ssyncadd.remote.s32 $0x1  }
0xbe: {  	_ =	sfence.sel $0xFFFF  }
0xbf: {  	[dreg:$0x0] =	wrdreg $0xFFFFFFFF;
	(pc) =	sbr.abs _section_cstart, $3  }
0xc0: {  	[dreg:$0x1] =	wrdreg $0xFFFFFFFF  }
0xc1: {  	_ =	task.clear_ibuf [dreg:s7], $0x2FFFF;
	_ =	strace $0x9FFFFFFF  }
0xc2: {  	(tm) =	ssettm $0x7FFFFFFF  }
0xc3: {  	_ =	shalt  }
tec
execute0_lowered:
.L_overlay_start_1:
0x0: {  	(tag) =	ssettag $0x1  }
0x1: {  	s0 =	srdreg.scid  }
0x2: {  	s3 =	rddreg [dreg:$0x0];
	s4 =	sand.u32 $0x1, s0  }
0x3: {  	s5 =	rddreg [dreg:$0x1];
	s1 =	stileid.u32;
	s6 =	sshll.u32 s4, $0x4  }
0x4: {  	s2 =	simm.s32 $0x0;
	s9 =	simm.s32 $0x0;
	s6 =	sor.u32 s1, s6  }
0x5: {  	s0 =	rddreg [dreg:$0x2];
	s4 =	ssub.s32 $0x2, s4;
	s7 =	smul.u32 $0x4E2, s6  }
0x6: {  	[smem:$0x7FF] =	sst s2;
	s8 =	sshrl.u32 s4, $0x1;
	s6 =	smul.u32 $0x500, s6  }
0x7: {  	_ =	strace $0x80000047;
	s8 =	ssub.s32 s4, s8;
	s7 =	sadd.s32 s7, s3  }
0x8: {  	s3 =	sadd.s32 $0xC600, s3;
	s5 =	sadd.s32 s5, s6;
	s6 =	smax.u32 s8, $0x1  }
0x9: {  	v0 =	vimm.f32 $1.000000000e+00;
	s8 =	simm.s32 $0x2800;
	s4 =	sadd.s32 $0x2800, s7;
	s7 =	simm.s32 $0x1  }
.LBB2_1:
0xa: {  	[tilespmem:s2], [sflag:$0x1] =	stream.linear.gather [hbm4b:s3+s2], $0x2800, $0x38;
	[tilespmem:$0x4F80] =	vst v63  }
0xb: {  	_ =	swait.ge [sflag:s7], $0x2800  }
0xc: {  	[sflag:s7] =	ssyncset.done $0x0  }
0xd: {  	[sflag:s7] =	ssyncadd.s32 $0xFFFFD800  }
0xe: {  	[tilespmem:s8], [sflag:$0x1] =	stream.linear.gather [hbm4b:s4+s2], $0x2710, $0x38;
	[tilespmem:$0x4F80] =	vst v63  }
0xf: {  	_ =	swait.ge [sflag:s7], $0x2710  }
0x10: {  	[sflag:s7] =	ssyncset.done $0x0  }
0x11: {  	s11 =	simm.s32 $0x0;
	s10 =	simm.s32 $0x40;
	[sflag:s7] =	ssyncadd.s32 $0xFFFFD8F0  }
.LBB2_2:
0x12: {  	p0 =	sne.s32 s10, $0x9C00;
	v1 =	vld [tilespmem:s11+$0x2800];
	_ =	sdelay $0x3  }
.Ltmp0:
0x13: {  	(pc) =	sbr.rel @p0 .LBB2_2-.Ltmp0, $2  }
0x14: {  	_ =	sdelay $0x2  }
0x15: {  	s11 =	sshra.s32 s10, $0x2;
	s10 =	sadd.s32 $0x40, s10;
	[tilespmem:v1+s2+$0x0] =	vst.idx.add.f32.msk $0xffff, v0  }
0x16: {  	v1 =	vld [tilespmem:s11+$0x2800];
	_ =	sdelay $0x5  }
0x17: {  	s9 =	sadd.s32 $0x1, s9  }
0x18: {  	p0 =	sne.s32 s9, s6  }
.Ltmp1:
0x19: {  	[tilespmem:v1+s2+$0x0] =	vst.idx.add.f32.msk $0xffff, v0;
	(pc) =	sbr.rel @p0 .LBB2_1-.Ltmp1, $4  }
0x1a: {  	[hbm4b:s5+s2] =	stream.linear.scatter [tilespmem:s2], [sflag:$0x1], $0x2800, $0x38;
	[tilespmem:$0x4F80] =	vst v63  }
0x1b: {  	_ =	swait.ge [sflag:s7], $0x2800  }
0x1c: {  	[sflag:s7] =	ssyncset.done $0x0  }
0x1d: {  	[sflag:s7] =	ssyncadd.s32 $0xFFFFD800  }
0x1e: {  	_ =	sfence.sel $0x180000  }
0x1f: {  	[bflag:$0x0] =	sbarrier.arrive $0xFFFF  }
0x20: {  	p0 =	sne.s32 s1, $0x0;
	_ =	strace $0x90000047  }
0x21: {  	s0 =	sadd.s32 @!p0 $0x100000, s0;
	[bflag:$0x2] =	sbarrier.arrive $0xFFFF  }
0x22: {  	[sflag:s0] =	ssyncadd.tile.s32 @!p0 $0x1;
	_ =	shalt  }
.Lfunc_end2:
_tile_overlayer_lowered:
.L_overlay_start_2:
0x23: {  	(tag) =	ssettag $0x2  }
0x24: {  	s0 =	rddreg [dreg:$0x0];
	s2 =	stileid.u32  }
0x25: {  	s1 =	rddreg [dreg:$0x1];
	p0 =	sne.s32 s2, $0x0  }
0x26: {  	s3 =	rddreg [dreg:$0x2];
	[bflag:$0x3] =	sbarrier.arrive $0xFFFF;
	s2 =	simm.s32 @!p0 $0x1C01  }
0x27: {  	[timem:s3], [sflag:s2] =	dma.local @!p0 [hbm:s0], s1  }
0x28: {  	s0 =	simm.s32 @!p0 $0x1  }
0x29: {  	_ =	swait.ge @!p0 [sflag:s0], s1  }
0x2a: {  	s1 =	ssub.s32 @!p0 $0x0, s1;
	[sflag:s0] =	ssyncset.done @!p0 $0x0  }
0x2b: {  	[sflag:s0] =	ssyncadd.s32 @!p0 s1  }
0x2c: {  	[bflag:$0x3] =	sbarrier.arrive $0xFFFF  }
0x2d: {  	_ =	shalt  }

// kernel: kernel.13.cloned.1.call-start
scs
__scs_entry_jumppad:
0x0: {  	(pc) =	sbr.rel $0x88, $3  }
0x1: {  	(tag) =	ssettag $0x0;
	lr =	simm.s32 $0x1  }
0x2: {  	[smem:$0x3F9B] =	sst lr;
	_ =	strace $0xD0000000  }
0x3: {  	_ = 	snop  }
0x4: {  	_ = 	snop  }
0x5: {  	_ = 	snop  }
0x6: {  	_ = 	snop  }
0x7: {  	_ = 	snop  }
__scs_overlays_trampoline_lowered:
0x8: {  	[smem:$0x3FAA] =	sst s0  }
0x9: {  	[smem:$0x3FAB] =	sst s1  }
0xa: {  	[smem:$0x3FAC] =	sst s2  }
0xb: {  	[smem:$0x3FAD] =	sst s3  }
0xc: {  	[smem:$0x3FAE] =	sst s4  }
0xd: {  	[smem:$0x3FAF] =	sst s5  }
0xe: {  	[smem:$0x3FB0] =	sst s6  }
0xf: {  	[smem:$0x3FB1] =	sst s7  }
0x10: {  	[smem:$0x3FB2] =	sst s8  }
0x11: {  	[smem:$0x3FB3] =	sst s9;
	s0 =	simm.s32 @!p0 $0x0  }
0x12: {  	s1 =	sld [smem:$0x3F99];
	s0 =	simm.s32 @p0 $0x1  }
0x13: {  	[smem:$0x3FB4] =	sst s0;
	s0 =	simm.s32 @!p1 $0x0  }
0x14: {  	s2 =	sld [smem:$0x3F98];
	s0 =	simm.s32 @p1 $0x1  }
0x15: {  	[smem:$0x3FB5] =	sst s0;
	s0 =	simm.s32 @!p2 $0x0  }
0x16: {  	s3 =	sld [smem:$0x3FDB];
	s0 =	simm.s32 @p2 $0x1  }
0x17: {  	s4 =	simm.s32 $0x1BF5;
	[smem:$0x3FB7] =	sst s0  }
0x18: {  	s0 =	sld [smem:$0x3F9A];
	_ =	swait.ge [sflag:s4], $0x0  }
0x19: {  	s7 =	sld [smem:$0x3F9B]  }
0x1a: {  	s8 =	sadd.s32 $0xFFFFE003, lr  }
0x1b: {  	s9 =	sadd.s32 $0xFFFFFEF7, lr;
	s5 =	simm.s32 $0xFFFFFFFF;
	p2 =	slt.u32 s8, $0xFFFFF086  }
0x1c: {  	p1 =	slt.u32 s9, $0xF7A;
	s5 =	simm.s32 @!p2 $0x0  }
0x1d: {  	s5 =	simm.s32 @p1 $0x1;
	p0 =	seq.s32 s7, s2  }
0x1e: {  	s7 =	smul.u32 @!p0 $0xF7A, s2;
	p2 =	seq.s32 @!p0 s5, $0x0  }
0x1f: {  	s9 =	smul.u32 $0xF7A, s1;
	s8 =	simm.s32 @!p0 $0x1BF5;
	p2 =	por !p2, p0  }
0x20: {  	[sflag:s8] =	ssyncset.s32 @!p0 $0xFFFFF086;
	s6 =	sadd.s32 @!p0 s3, s7;
	s7 =	simm.s32 @!p0 $0x108  }
0x21: {  	s3 =	sadd.s32 s3, s9;
	s6 =	sadd.s32 @!p0 $0x88, s6;
	s7 =	simm.s32 @p2 $0x1082  }
0x22: {  	[simem:s7], [sflag:s8] =	dma.local @!p0 [hbm:s6], $0xF7A  }
0x23: {  	s9 =	sor.u32 $0xD0000000, s2;
	s6 =	simm.s32 $0x108;
	_ =	swait.ge @!p0 [sflag:s8], $0x0  }
0x24: {  	s3 =	sadd.s32 $0x88, s3;
	s6 =	simm.s32 @!p1 $0x1082;
	[sflag:s4] =	ssyncset.s32 $0xFFFFF086  }
0x25: {  	[simem:s6], [sflag:s4] =	dma.local [hbm:s3], $0xF7A  }
0x26: {  	[smem:$0x3F9B] =	sst s1;
	(tag) =	ssettag s2;
	_ =	strace s9  }
0x27: {  	s1 =	sld [smem:$0x3FAB]  }
0x28: {  	s2 =	sld [smem:$0x3FAC]  }
0x29: {  	s4 =	sld [smem:$0x3FAE]  }
0x2a: {  	p0 =	seq.s32 s5, $0x0;
	s5 =	sld [smem:$0x3FAF]  }
0x2b: {  	s6 =	sld [smem:$0x3FB0]  }
0x2c: {  	s7 =	sld [smem:$0x3FB1]  }
0x2d: {  	s3 =	simm.s32 $0x108;
	s8 =	sld [smem:$0x3FB2]  }
0x2e: {  	s3 =	simm.s32 @!p0 $0x1082;
	s9 =	sld [smem:$0x3FB3]  }
0x2f: {  	lr =	sadd.s32 s0, s3;
	s0 =	sld [smem:$0x3FAA]  }
0x30: {  	s3 =	sld [smem:$0x3FAD]  }
0x31: {  	[smem:$0x3FB6] =	sst s10  }
0x32: {  	s10 =	sld [smem:$0x3FB4];
	_ =	sdelay $0x3  }
0x33: {  	p0 =	seq.s32 s10, $0x1;
	s10 =	sld [smem:$0x3FB6];
	_ =	sdelay $0x3  }
0x34: {  	[smem:$0x3FB6] =	sst s10  }
0x35: {  	s10 =	sld [smem:$0x3FB5];
	_ =	sdelay $0x3  }
0x36: {  	p1 =	seq.s32 s10, $0x1;
	s10 =	sld [smem:$0x3FB6];
	_ =	sdelay $0x3  }
0x37: {  	[smem:$0x3FB6] =	sst s10  }
0x38: {  	s10 =	sld [smem:$0x3FB7]  }
0x39: {  	_ = 	snop;
	(pc) =	sbr.ind lr, $3  }
0x3a: {  	_ = 	snop  }
0x3b: {  	_ = 	snop  }
0x3c: {  	p2 =	seq.s32 s10, $0x1;
	s10 =	sld [smem:$0x3FB6]  }
0x3d: {  	_ =	shalt  }
0x3e: {  	_ =	shalt  }
0x3f: {  	_ =	shalt  }
0x40: {  	_ =	shalt  }
0x41: {  	_ =	shalt  }
0x42: {  	_ =	shalt  }
0x43: {  	_ =	shalt  }
0x44: {  	_ =	shalt  }
0x45: {  	_ =	shalt  }
0x46: {  	_ =	shalt  }
0x47: {  	_ =	shalt  }
0x48: {  	_ =	shalt  }
0x49: {  	_ =	shalt  }
0x4a: {  	_ =	shalt  }
0x4b: {  	_ =	shalt  }
0x4c: {  	_ =	shalt  }
0x4d: {  	_ =	shalt  }
0x4e: {  	_ =	shalt  }
0x4f: {  	_ =	shalt  }
0x50: {  	_ =	shalt  }
0x51: {  	_ =	shalt  }
0x52: {  	_ =	shalt  }
0x53: {  	_ =	shalt  }
0x54: {  	_ =	shalt  }
0x55: {  	_ =	shalt  }
0x56: {  	_ =	shalt  }
0x57: {  	_ =	shalt  }
0x58: {  	_ =	shalt  }
0x59: {  	_ =	shalt  }
0x5a: {  	_ =	shalt  }
0x5b: {  	_ =	shalt  }
0x5c: {  	_ =	shalt  }
0x5d: {  	_ =	shalt  }
0x5e: {  	_ =	shalt  }
0x5f: {  	_ =	shalt  }
0x60: {  	_ =	shalt  }
0x61: {  	_ =	shalt  }
0x62: {  	_ =	shalt  }
0x63: {  	_ =	shalt  }
0x64: {  	_ =	shalt  }
0x65: {  	_ =	shalt  }
0x66: {  	_ =	shalt  }
0x67: {  	_ =	shalt  }
0x68: {  	_ =	shalt  }
0x69: {  	_ =	shalt  }
0x6a: {  	_ =	shalt  }
0x6b: {  	_ =	shalt  }
0x6c: {  	_ =	shalt  }
0x6d: {  	_ =	shalt  }
0x6e: {  	_ =	shalt  }
0x6f: {  	_ =	shalt  }
0x70: {  	_ =	shalt  }
0x71: {  	_ =	shalt  }
0x72: {  	_ =	shalt  }
0x73: {  	_ =	shalt  }
0x74: {  	_ =	shalt  }
0x75: {  	_ =	shalt  }
0x76: {  	_ =	shalt  }
0x77: {  	_ =	shalt  }
0x78: {  	_ =	shalt  }
0x79: {  	_ =	shalt  }
0x7a: {  	_ =	shalt  }
0x7b: {  	_ =	shalt  }
0x7c: {  	_ =	shalt  }
0x7d: {  	_ =	shalt  }
0x7e: {  	_ =	shalt  }
0x7f: {  	_ =	shalt  }
0x80: {  	_ =	shalt  }
0x81: {  	_ =	shalt  }
0x82: {  	_ =	shalt  }
0x83: {  	_ =	shalt  }
0x84: {  	_ =	shalt  }
0x85: {  	_ =	shalt  }
0x86: {  	_ =	shalt  }
0x87: {  	_ =	shalt  }
.Lfunc_end0:
.L_simem_size_0:
called_computation.1_lowered:
.L_overlay_start_0:
0x88: {  	s2 =	sld [smem:$0x3FD9]  }
0x89: {  	s3 =	sld [smem:$0x3FFE];
	_ =	sdelay $0x1  }
0x8a: {  	s1 =	srdreg.scid  }
0x8b: {  	s0 =	sand.u32 $0x1, s1  }
0x8c: {  	s16 =	sshll.u32 s0, $0xA;
	s2 =	sadd.s32 s3, s2  }
0x8d: {  	s2 =	sadd.s32 s2, s16  }
0x8e: {  	[smem:$0x3FC2] =	sst s2  }
0x8f: {  	_ = 	snop  }
0x90: {  	(tm) =	ssettm $0x1  }
0x91: {  	s17 =	sld [smem:$0x3FFB];
	_ =	sdelay $0x3  }
0x92: {  	_ =	strace s17  }
0x93: {  	s2 =	sld [smem:$0x3FFC];
	_ =	sdelay $0x3  }
0x94: {  	_ =	strace s2  }
0x95: {  	s2 =	sld [smem:$0x3FFD];
	_ =	sdelay $0x3  }
0x96: {  	_ =	strace s2  }
0x97: {  	_ =	strace $0x8FFFFFFF  }
0x98: {  	s18 =	sld [smem:$0x3FDB];
	_ =	sdelay $0x1  }
0x99: {  	s19 =	simm.s32 $_scs_section_size  }
0x9a: {  	s4 =	simm.s32 $_size__tile_overlayer_lowered;
	s5 =	simm.s32 $_tile_overlayer_lowered  }
0x9b: {  	s22 =	simm.s32 $0x1BFF;
	s21 =	sshll.u32 s5, $0x1;
	s2 =	sadd.s32 s19, s18  }
0x9c: {  	s6 =	simm.s32 $0x0;
	s20 =	sshll.u32 s4, $0x1;
	s4 =	sadd.s32 s21, s2  }
0x9d: {  	[timem:s6], [sflag:s22] =	dma.local [hbm:s4], s20  }
0x9e: {  	_ =	swait.ge [sflag:s22], s20  }
0x9f: {  	s3 =	ssub.s32 $0x0, s20;
	[sflag:s22] =	ssyncset.done $0x0  }
0xa0: {  	[sflag:s22] =	ssyncadd.s32 s3;
	_ =	sdelay $0x1  }
0xa1: {  	s23 =	simm.s32 $0x1B8B  }
0xa2: {  	_ =	swait.ge [sflag:s23], $0x1  }
0xa3: {  	[sflag:s23] =	ssyncset.done $0x0  }
0xa4: {  	s25 =	simm.s32 $0x1B8E;
	s24 =	sld [smem:$0x3FFE];
	[sflag:s23] =	ssyncadd.s32 $0xFFFFFFFF  }
0xa5: {  	s26 =	simm.s32 $execute0_lowered;
	[smem:$0x3FD2] =	sst s25  }
0xa6: {  	s4 =	sshll.u32 s26, $0x1;
	_ =	strace $0x80000049;
	[dreg:$0x1] =	wrdreg $0xFFFFFFFF  }
0xa7: {  	s28 =	simm.s32 $_size_execute0_lowered;
	s2 =	sadd.s32 s2, s4;
	[dreg:$0x0] =	wrdreg $0x0  }
0xa8: {  	s4 =	sshll.u32 s28, $0x1;
	[dreg:$0x2] =	wrdreg s2  }
0xa9: {  	[dreg:$0x3] =	wrdreg s4  }
0xaa: {  	[dreg:$0x4] =	wrdreg $0xC0  }
0xab: {  	_ =	task [dreg:s6], $0x5FFFF  }
0xac: {  	[dreg:$0x1] =	wrdreg $0xFFFFFFFF  }
0xad: {  	[dreg:$0x0] =	wrdreg $0x60  }
0xae: {  	[dreg:$0x2] =	wrdreg s24  }
0xaf: {  	[dreg:$0x3] =	wrdreg $0x88000  }
0xb0: {  	[dreg:$0x4] =	wrdreg $0x9  }
0xb1: {  	_ =	task.clear_ibuf [dreg:s6], $0x5FFFF;
	_ =	strace $0x90000049  }
0xb2: {  	s29 =	simm.s32 $0x9;
	_ =	strace $0x8000004B  }
0xb3: {  	_ =	swait.ge [sflag:s29], $0x1  }
0xb4: {  	[sflag:s29] =	ssyncadd.s32 $0xFFFFFFFF  }
0xb5: {  	_ =	strace $0x9000004B  }
0xb6: {  	_ =	sfence  }
0xb7: {  	s30 =	sld [smem:$0x0];
	_ =	sdelay $0x2  }
0xb8: {  	s31 =	sshll.u32 s1, $0xD;
	s1 =	sshrl.u32 s1, $0x2  }
0xb9: {  	s3 =	sand.u32 $0x4000, s31;
	s1 =	sadd.s32 s1, s30  }
0xba: {  	s0 =	sor.u32 s3, s0;
	s1 =	sshll.u32 s1, $0x11  }
0xbb: {  	s0 =	sor.u32 s1, s0  }
0xbc: {  	s0 =	sadd.s32 $0x8F2B, s0  }
0xbd: {  	[sflag:s0] =	ssyncadd.remote.s32 $0x1  }
0xbe: {  	_ =	sfence.sel $0xFFFF  }
0xbf: {  	[dreg:$0x0] =	wrdreg $0xFFFFFFFF;
	(pc) =	sbr.abs _section_cstart, $3  }
0xc0: {  	[dreg:$0x1] =	wrdreg $0xFFFFFFFF  }
0xc1: {  	_ =	task.clear_ibuf [dreg:s6], $0x2FFFF;
	_ =	strace $0x9FFFFFFF  }
0xc2: {  	(tm) =	ssettm $0x7FFFFFFF  }
0xc3: {  	_ =	shalt  }
tec
execute0_lowered:
.L_overlay_start_1:
0x0: {  	(tag) =	ssettag $0x1  }
0x1: {  	s0 =	rddreg [dreg:$0x0]  }
0x2: {  	s2 =	rddreg [dreg:$0x1];
	s3 =	simm.s32 $0x0;
	s11 =	stileid.u32  }
0x3: {  	s1 =	srdreg.scid;
	s12 =	simm.s32 $0x3;
	s13 =	simm.s32 $0x400  }
0x4: {  	s14 =	simm.s32 $0x80;
	s15 =	simm.s32 $0x800;
	s16 =	simm.s32 $0x4800  }
0x5: {  	s17 =	simm.s32 $0x1;
	s18 =	simm.s32 $0x100;
	s19 =	simm.s32 $0x2  }
0x6: {  	s20 =	simm.s32 $0x480;
	s28 =	simm.s32 $0x300;
	s29 =	simm.s32 $0x680  }
0x7: {  	s30 =	simm.s32 $0x380;
	s31 =	simm.s32 $0x700;
	s5 =	smul.u32 $0x98, s11  }
0x8: {  	[smem:$0x7FF] =	sst s3;
	s1 =	sand.u32 $0x1, s1;
	s6 =	smul.u32 $0x14000, s11  }
0x9: {  	s4 =	sshll.u32 s11, $0x3;
	s10 =	smul.u32 $0x50000, s11;
	s25 =	sshll.u32 s11, $0x6  }
0xa: {  	p0 =	seq.s32 s1, $0x0;
	s7 =	sor.u32 $0x980, s4;
	s8 =	smul.u32 $0x140000, s1  }
0xb: {  	_ =	strace $0x8000004A;
	s4 =	sadd.s32 $0x20C00, s0;
	s22 =	ssub.s32 $0x2, s1  }
0xc: {  	s7 =	smov.u32 @p0 s5;
	s9 =	sshrl.u32 s22, $0x1;
	s24 =	sshrl.u32 s10, $0x2  }
0xd: {  	p0 =	sne.s32 s1, $0x0;
	s1 =	simm.s32 $0x0;
	s5 =	sshll.u32 s7, $0x4  }
0xe: {  	s21 =	sadd.s32 s6, s8;
	s23 =	ssub.s32 s22, s9;
	s6 =	sshrl.u32 s6, $0x3  }
0xf: {  	s8 =	sadd.s32 s24, s2;
	s22 =	simm.s32 $0x500;
	s24 =	simm.s32 $0x580  }
0x10: {  	s7 =	sshrl.u32 s21, $0x3;
	s5 =	sadd.s32 s5, s0;
	s6 =	sadd.s32 s4, s6  }
0x11: {  	s26 =	smax.u32 s23, $0x1;
	s11 =	sshrl.u32 s8, $0x3;
	s21 =	simm.s32 $0x180  }
0x12: {  	s23 =	simm.s32 $0x200;
	s0 =	sadd.s32 s7, s0;
	[dreg:$0x3] =	wrdreg s6  }
0x13: {  	s6 =	sor.u32 $0x1C03, s25;
	[dreg:$0x5] =	wrdreg s26;
	s7 =	sadd.s32 $0xCC00, s5  }
0x14: {  	s5 =	sadd.s32 $0x16C00, s5;
	s25 =	simm.s32 $0x280;
	s0 =	sadd.s32 $0x48C00, s0  }
0x15: {  	s26 =	simm.s32 $0x600;
	[dreg:$0x4] =	wrdreg s0;
	s0 =	simm.s32 $0x780  }
.LBB2_1:
0x16: {  	s8 =	rddreg [dreg:$0x3]  }
0x17: {  	[spmem:s11], [sflag:s6] =	dma.local [hbm:s8], $0x2800  }
0x18: {  	_ =	swait.ge [sflag:s12], $0x2800  }
0x19: {  	[sflag:s12] =	ssyncset.done $0x0  }
0x1a: {  	s10 =	smov.u32 s5;
	[sflag:s12] =	ssyncadd.s32 $0xFFFFD800  }
0x1b: {  	s9 =	smov.u32 s7;
	s8 =	simm.s32 $0x0;
	[bflag:$0x0] =	sbarrier.arrive $0xFFFF  }
.LBB2_2:
0x1c: {  	[tilespmem:s3], [sflag:$0x3] =	stream.linear.gather [hbm4b:s10+s3], $0x400, $0x38;
	[tilespmem:$0x1C800] =	vst v63  }
0x1d: {  	_ =	swait.ge [sflag:s12], $0x400  }
0x1e: {  	[sflag:s12] =	ssyncset.done $0x0  }
0x1f: {  	[sflag:s12] =	ssyncadd.s32 $0xFFFFFC00  }
0x20: {  	[tilespmem:s13], [sflag:$0x3] =	stream.linear.gather [hbm4b:s9+s3], $0x400, $0x38;
	[tilespmem:$0x1C800] =	vst v63  }
0x21: {  	_ =	swait.ge [sflag:s12], $0x400  }
0x22: {  	[sflag:s12] =	ssyncset.done $0x0  }
0x23: {  	[sflag:s12] =	ssyncadd.s32 $0xFFFFFC00  }
0x24: {  	[tilespmem:s15], [sflag:$0x1] =	stream.indirect.gather [hbm4b:s4+s14], $0x80, s3, s14, $0xb8;
	[tilespmem:$0x1C800] =	vst v63  }
0x25: {  	_ = 	snop  }
0x26: {  	[tilespmem:s16], [sflag:$0x2] =	stream.indirect.gather [hbm4b:s4+s14], $0x80, s14, s14, $0xb8;
	[tilespmem:$0x1C800] =	vst v63  }
0x27: {  	_ =	swait.ge [sflag:s17], $0x4000  }
0x28: {  	[sflag:s17] =	ssyncset.done $0x0  }
0x29: {  	[sflag:s17] =	ssyncadd.s32 $0xFFFFC000  }
0x2a: {  	[spmem:s2] =	stream.indirect.scatter.add.f32 [tilespmem:s15], [sflag:$0x3], $0x80, s13, s14, $0xb8;
	[tilespmem:$0x1C800] =	vst v63  }
0x2b: {  	_ =	swait.ge [sflag:s12], $0x4000  }
0x2c: {  	[sflag:s12] =	ssyncset.done $0x0  }
0x2d: {  	[sflag:s12] =	ssyncadd.s32 $0xFFFFC000  }
0x2e: {  	[tilespmem:s15], [sflag:$0x1] =	stream.indirect.gather [hbm4b:s4+s14], $0x80, s18, s14, $0xb8;
	[tilespmem:$0x1C800] =	vst v63  }
0x2f: {  	_ =	swait.ge [sflag:s19], $0x4000  }
0x30: {  	[sflag:s19] =	ssyncset.done $0x0  }
0x31: {  	[sflag:s19] =	ssyncadd.s32 $0xFFFFC000  }
0x32: {  	[spmem:s2] =	stream.indirect.scatter.add.f32 [tilespmem:s16], [sflag:$0x3], $0x80, s20, s14, $0xb8;
	[tilespmem:$0x1C800] =	vst v63  }
0x33: {  	_ =	swait.ge [sflag:s12], $0x4000  }
0x34: {  	[sflag:s12] =	ssyncset.done $0x0  }
0x35: {  	[sflag:s12] =	ssyncadd.s32 $0xFFFFC000  }
0x36: {  	[tilespmem:s16], [sflag:$0x2] =	stream.indirect.gather [hbm4b:s4+s14], $0x80, s21, s14, $0xb8;
	[tilespmem:$0x1C800] =	vst v63  }
0x37: {  	_ =	swait.ge [sflag:s17], $0x4000  }
0x38: {  	[sflag:s17] =	ssyncset.done $0x0  }
0x39: {  	[sflag:s17] =	ssyncadd.s32 $0xFFFFC000  }
0x3a: {  	[spmem:s2] =	stream.indirect.scatter.add.f32 [tilespmem:s15], [sflag:$0x3], $0x80, s22, s14, $0xb8;
	[tilespmem:$0x1C800] =	vst v63  }
0x3b: {  	_ =	swait.ge [sflag:s12], $0x4000  }
0x3c: {  	[sflag:s12] =	ssyncset.done $0x0  }
0x3d: {  	[sflag:s12] =	ssyncadd.s32 $0xFFFFC000  }
0x3e: {  	[tilespmem:s15], [sflag:$0x1] =	stream.indirect.gather [hbm4b:s4+s14], $0x80, s23, s14, $0xb8;
	[tilespmem:$0x1C800] =	vst v63  }
0x3f: {  	_ =	swait.ge [sflag:s19], $0x4000  }
0x40: {  	[sflag:s19] =	ssyncset.done $0x0  }
0x41: {  	[sflag:s19] =	ssyncadd.s32 $0xFFFFC000  }
0x42: {  	[spmem:s2] =	stream.indirect.scatter.add.f32 [tilespmem:s16], [sflag:$0x3], $0x80, s24, s14, $0xb8;
	[tilespmem:$0x1C800] =	vst v63  }
0x43: {  	_ =	swait.ge [sflag:s12], $0x4000  }
0x44: {  	[sflag:s12] =	ssyncset.done $0x0  }
0x45: {  	[sflag:s12] =	ssyncadd.s32 $0xFFFFC000  }
0x46: {  	[tilespmem:s16], [sflag:$0x2] =	stream.indirect.gather [hbm4b:s4+s14], $0x80, s25, s14, $0xb8;
	[tilespmem:$0x1C800] =	vst v63  }
0x47: {  	_ =	swait.ge [sflag:s17], $0x4000  }
0x48: {  	[sflag:s17] =	ssyncset.done $0x0  }
0x49: {  	[sflag:s17] =	ssyncadd.s32 $0xFFFFC000  }
0x4a: {  	[spmem:s2] =	stream.indirect.scatter.add.f32 [tilespmem:s15], [sflag:$0x3], $0x80, s26, s14, $0xb8;
	[tilespmem:$0x1C800] =	vst v63  }
0x4b: {  	_ =	swait.ge [sflag:s12], $0x4000  }
0x4c: {  	[sflag:s12] =	ssyncset.done $0x0  }
0x4d: {  	[sflag:s12] =	ssyncadd.s32 $0xFFFFC000  }
0x4e: {  	[tilespmem:s15], [sflag:$0x1] =	stream.indirect.gather [hbm4b:s4+s14], $0x80, s28, s14, $0xb8;
	[tilespmem:$0x1C800] =	vst v63  }
0x4f: {  	_ =	swait.ge [sflag:s19], $0x4000  }
0x50: {  	[sflag:s19] =	ssyncset.done $0x0  }
0x51: {  	[sflag:s19] =	ssyncadd.s32 $0xFFFFC000  }
0x52: {  	[spmem:s2] =	stream.indirect.scatter.add.f32 [tilespmem:s16], [sflag:$0x3], $0x80, s29, s14, $0xb8;
	[tilespmem:$0x1C800] =	vst v63  }
0x53: {  	_ =	swait.ge [sflag:s12], $0x4000  }
0x54: {  	[sflag:s12] =	ssyncset.done $0x0  }
0x55: {  	[sflag:s12] =	ssyncadd.s32 $0xFFFFC000  }
0x56: {  	[tilespmem:s16], [sflag:$0x2] =	stream.indirect.gather [hbm4b:s4+s14], $0x80, s30, s14, $0xb8;
	[tilespmem:$0x1C800] =	vst v63  }
0x57: {  	_ =	swait.ge [sflag:s17], $0x4000  }
0x58: {  	[sflag:s17] =	ssyncset.done $0x0  }
0x59: {  	[sflag:s17] =	ssyncadd.s32 $0xFFFFC000  }
0x5a: {  	[spmem:s2] =	stream.indirect.scatter.add.f32 [tilespmem:s15], [sflag:$0x3], $0x80, s31, s14, $0xb8;
	[tilespmem:$0x1C800] =	vst v63  }
0x5b: {  	_ =	swait.ge [sflag:s12], $0x4000  }
0x5c: {  	[sflag:s12] =	ssyncset.done $0x0  }
0x5d: {  	[sflag:s12] =	ssyncadd.s32 $0xFFFFC000  }
0x5e: {  	p1 =	slt.u32 @!p0 s8, $0x12;
	_ =	swait.ge [sflag:s19], $0x4000  }
0x5f: {  	p1 =	por p0, !p1;
	[sflag:s19] =	ssyncset.done $0x0  }
.Ltmp0:
0x60: {  	[sflag:s19] =	ssyncadd.s32 $0xFFFFC000;
	(pc) =	sbr.rel @!p1 .LBB2_2-.Ltmp0, $4  }
0x61: {  	[spmem:s2] =	stream.indirect.scatter.add.f32 [tilespmem:s16], [sflag:$0x3], $0x80, s0, s14, $0xb8;
	[tilespmem:$0x1C800] =	vst v63  }
0x62: {  	_ =	swait.ge [sflag:s12], $0x4000  }
0x63: {  	s8 =	sadd.s32 $0x1, s8;
	[sflag:s12] =	ssyncset.done $0x0  }
0x64: {  	s10 =	sadd.s32 $0x80, s10;
	s9 =	sadd.s32 $0x80, s9;
	[sflag:s12] =	ssyncadd.s32 $0xFFFFC000  }
0x65: {  	[bflag:$0x0] =	sbarrier.arrive $0xFFFF  }
0x66: {  	s8 =	rddreg [dreg:$0x4]  }
0x67: {  	[hbm:s8], [sflag:s6] =	dma.local [spmem:s11], $0x2800  }
0x68: {  	_ =	swait.ge [sflag:s12], $0x2800  }
0x69: {  	s1 =	sadd.s32 $0x1, s1;
	s10 =	rddreg [dreg:$0x5]  }
0x6a: {  	p1 =	sne.s32 s1, s10  }
.Ltmp1:
0x6b: {  	_ = 	snop;
	(pc) =	sbr.rel @p1 .LBB2_1-.Ltmp1, $3  }
0x6c: {  	_ =	sdelay $0x1  }
0x6d: {  	[sflag:s12] =	ssyncset.done $0x0  }
0x6e: {  	[sflag:s12] =	ssyncadd.s32 $0xFFFFD800  }
0x6f: {  	_ =	sfence.sel $0x180000  }
0x70: {  	[bflag:$0x0] =	sbarrier.arrive $0xFFFF  }
0x71: {  	_ =	strace $0x9000004A  }
0x72: {  	s0 =	stileid.u32;
	[bflag:$0x2] =	sbarrier.arrive $0xFFFF  }
0x73: {  	p0 =	sne.s32 s0, $0x0;
	s0 =	rddreg [dreg:$0x2]  }
0x74: {  	s0 =	sadd.s32 @!p0 $0x100000, s0  }
0x75: {  	[sflag:s0] =	ssyncadd.tile.s32 @!p0 $0x1;
	_ =	shalt  }
.Lfunc_end2:
_tile_overlayer_lowered:
.L_overlay_start_2:
0x76: {  	(tag) =	ssettag $0x2  }
0x77: {  	s0 =	rddreg [dreg:$0x0];
	s2 =	stileid.u32  }
0x78: {  	s1 =	rddreg [dreg:$0x1];
	p0 =	sne.s32 s2, $0x0  }
0x79: {  	s3 =	rddreg [dreg:$0x2];
	[bflag:$0x3] =	sbarrier.arrive $0xFFFF;
	s2 =	simm.s32 @!p0 $0x1C03  }
0x7a: {  	[timem:s3], [sflag:s2] =	dma.local @!p0 [hbm:s0], s1  }
0x7b: {  	s0 =	simm.s32 @!p0 $0x3  }
0x7c: {  	_ =	swait.ge @!p0 [sflag:s0], s1  }
0x7d: {  	s1 =	ssub.s32 @!p0 $0x0, s1;
	[sflag:s0] =	ssyncset.done @!p0 $0x0  }
0x7e: {  	[sflag:s0] =	ssyncadd.s32 @!p0 s1  }
0x7f: {  	[bflag:$0x3] =	sbarrier.arrive $0xFFFF  }
0x80: {  	_ =	shalt  }

// kernel: kernel.16.cloned.1.call-start
scs
__scs_entry_jumppad:
0x0: {  	(pc) =	sbr.rel $0x88, $3  }
0x1: {  	(tag) =	ssettag $0x0;
	lr =	simm.s32 $0x1  }
0x2: {  	[smem:$0x3F9B] =	sst lr;
	_ =	strace $0xD0000000  }
0x3: {  	_ = 	snop  }
0x4: {  	_ = 	snop  }
0x5: {  	_ = 	snop  }
0x6: {  	_ = 	snop  }
0x7: {  	_ = 	snop  }
__scs_overlays_trampoline_lowered:
0x8: {  	[smem:$0x3FAA] =	sst s0  }
0x9: {  	[smem:$0x3FAB] =	sst s1  }
0xa: {  	[smem:$0x3FAC] =	sst s2  }
0xb: {  	[smem:$0x3FAD] =	sst s3  }
0xc: {  	[smem:$0x3FAE] =	sst s4  }
0xd: {  	[smem:$0x3FAF] =	sst s5  }
0xe: {  	[smem:$0x3FB0] =	sst s6  }
0xf: {  	[smem:$0x3FB1] =	sst s7  }
0x10: {  	[smem:$0x3FB2] =	sst s8  }
0x11: {  	[smem:$0x3FB3] =	sst s9;
	s0 =	simm.s32 @!p0 $0x0  }
0x12: {  	s1 =	sld [smem:$0x3F99];
	s0 =	simm.s32 @p0 $0x1  }
0x13: {  	[smem:$0x3FB4] =	sst s0;
	s0 =	simm.s32 @!p1 $0x0  }
0x14: {  	s2 =	sld [smem:$0x3F98];
	s0 =	simm.s32 @p1 $0x1  }
0x15: {  	[smem:$0x3FB5] =	sst s0;
	s0 =	simm.s32 @!p2 $0x0  }
0x16: {  	s3 =	sld [smem:$0x3FDB];
	s0 =	simm.s32 @p2 $0x1  }
0x17: {  	s4 =	simm.s32 $0x1BF5;
	[smem:$0x3FB7] =	sst s0  }
0x18: {  	s0 =	sld [smem:$0x3F9A];
	_ =	swait.ge [sflag:s4], $0x0  }
0x19: {  	s7 =	sld [smem:$0x3F9B]  }
0x1a: {  	s8 =	sadd.s32 $0xFFFFE003, lr  }
0x1b: {  	s9 =	sadd.s32 $0xFFFFFEF7, lr;
	s5 =	simm.s32 $0xFFFFFFFF;
	p2 =	slt.u32 s8, $0xFFFFF086  }
0x1c: {  	p1 =	slt.u32 s9, $0xF7A;
	s5 =	simm.s32 @!p2 $0x0  }
0x1d: {  	s5 =	simm.s32 @p1 $0x1;
	p0 =	seq.s32 s7, s2  }
0x1e: {  	s7 =	smul.u32 @!p0 $0xF7A, s2;
	p2 =	seq.s32 @!p0 s5, $0x0  }
0x1f: {  	s9 =	smul.u32 $0xF7A, s1;
	s8 =	simm.s32 @!p0 $0x1BF5;
	p2 =	por !p2, p0  }
0x20: {  	[sflag:s8] =	ssyncset.s32 @!p0 $0xFFFFF086;
	s6 =	sadd.s32 @!p0 s3, s7;
	s7 =	simm.s32 @!p0 $0x108  }
0x21: {  	s3 =	sadd.s32 s3, s9;
	s6 =	sadd.s32 @!p0 $0x88, s6;
	s7 =	simm.s32 @p2 $0x1082  }
0x22: {  	[simem:s7], [sflag:s8] =	dma.local @!p0 [hbm:s6], $0xF7A  }
0x23: {  	s9 =	sor.u32 $0xD0000000, s2;
	s6 =	simm.s32 $0x108;
	_ =	swait.ge @!p0 [sflag:s8], $0x0  }
0x24: {  	s3 =	sadd.s32 $0x88, s3;
	s6 =	simm.s32 @!p1 $0x1082;
	[sflag:s4] =	ssyncset.s32 $0xFFFFF086  }
0x25: {  	[simem:s6], [sflag:s4] =	dma.local [hbm:s3], $0xF7A  }
0x26: {  	[smem:$0x3F9B] =	sst s1;
	(tag) =	ssettag s2;
	_ =	strace s9  }
0x27: {  	s1 =	sld [smem:$0x3FAB]  }
0x28: {  	s2 =	sld [smem:$0x3FAC]  }
0x29: {  	s4 =	sld [smem:$0x3FAE]  }
0x2a: {  	p0 =	seq.s32 s5, $0x0;
	s5 =	sld [smem:$0x3FAF]  }
0x2b: {  	s6 =	sld [smem:$0x3FB0]  }
0x2c: {  	s7 =	sld [smem:$0x3FB1]  }
0x2d: {  	s3 =	simm.s32 $0x108;
	s8 =	sld [smem:$0x3FB2]  }
0x2e: {  	s3 =	simm.s32 @!p0 $0x1082;
	s9 =	sld [smem:$0x3FB3]  }
0x2f: {  	lr =	sadd.s32 s0, s3;
	s0 =	sld [smem:$0x3FAA]  }
0x30: {  	s3 =	sld [smem:$0x3FAD]  }
0x31: {  	[smem:$0x3FB6] =	sst s10  }
0x32: {  	s10 =	sld [smem:$0x3FB4];
	_ =	sdelay $0x3  }
0x33: {  	p0 =	seq.s32 s10, $0x1;
	s10 =	sld [smem:$0x3FB6];
	_ =	sdelay $0x3  }
0x34: {  	[smem:$0x3FB6] =	sst s10  }
0x35: {  	s10 =	sld [smem:$0x3FB5];
	_ =	sdelay $0x3  }
0x36: {  	p1 =	seq.s32 s10, $0x1;
	s10 =	sld [smem:$0x3FB6];
	_ =	sdelay $0x3  }
0x37: {  	[smem:$0x3FB6] =	sst s10  }
0x38: {  	s10 =	sld [smem:$0x3FB7]  }
0x39: {  	_ = 	snop;
	(pc) =	sbr.ind lr, $3  }
0x3a: {  	_ = 	snop  }
0x3b: {  	_ = 	snop  }
0x3c: {  	p2 =	seq.s32 s10, $0x1;
	s10 =	sld [smem:$0x3FB6]  }
0x3d: {  	_ =	shalt  }
0x3e: {  	_ =	shalt  }
0x3f: {  	_ =	shalt  }
0x40: {  	_ =	shalt  }
0x41: {  	_ =	shalt  }
0x42: {  	_ =	shalt  }
0x43: {  	_ =	shalt  }
0x44: {  	_ =	shalt  }
0x45: {  	_ =	shalt  }
0x46: {  	_ =	shalt  }
0x47: {  	_ =	shalt  }
0x48: {  	_ =	shalt  }
0x49: {  	_ =	shalt  }
0x4a: {  	_ =	shalt  }
0x4b: {  	_ =	shalt  }
0x4c: {  	_ =	shalt  }
0x4d: {  	_ =	shalt  }
0x4e: {  	_ =	shalt  }
0x4f: {  	_ =	shalt  }
0x50: {  	_ =	shalt  }
0x51: {  	_ =	shalt  }
0x52: {  	_ =	shalt  }
0x53: {  	_ =	shalt  }
0x54: {  	_ =	shalt  }
0x55: {  	_ =	shalt  }
0x56: {  	_ =	shalt  }
0x57: {  	_ =	shalt  }
0x58: {  	_ =	shalt  }
0x59: {  	_ =	shalt  }
0x5a: {  	_ =	shalt  }
0x5b: {  	_ =	shalt  }
0x5c: {  	_ =	shalt  }
0x5d: {  	_ =	shalt  }
0x5e: {  	_ =	shalt  }
0x5f: {  	_ =	shalt  }
0x60: {  	_ =	shalt  }
0x61: {  	_ =	shalt  }
0x62: {  	_ =	shalt  }
0x63: {  	_ =	shalt  }
0x64: {  	_ =	shalt  }
0x65: {  	_ =	shalt  }
0x66: {  	_ =	shalt  }
0x67: {  	_ =	shalt  }
0x68: {  	_ =	shalt  }
0x69: {  	_ =	shalt  }
0x6a: {  	_ =	shalt  }
0x6b: {  	_ =	shalt  }
0x6c: {  	_ =	shalt  }
0x6d: {  	_ =	shalt  }
0x6e: {  	_ =	shalt  }
0x6f: {  	_ =	shalt  }
0x70: {  	_ =	shalt  }
0x71: {  	_ =	shalt  }
0x72: {  	_ =	shalt  }
0x73: {  	_ =	shalt  }
0x74: {  	_ =	shalt  }
0x75: {  	_ =	shalt  }
0x76: {  	_ =	shalt  }
0x77: {  	_ =	shalt  }
0x78: {  	_ =	shalt  }
0x79: {  	_ =	shalt  }
0x7a: {  	_ =	shalt  }
0x7b: {  	_ =	shalt  }
0x7c: {  	_ =	shalt  }
0x7d: {  	_ =	shalt  }
0x7e: {  	_ =	shalt  }
0x7f: {  	_ =	shalt  }
0x80: {  	_ =	shalt  }
0x81: {  	_ =	shalt  }
0x82: {  	_ =	shalt  }
0x83: {  	_ =	shalt  }
0x84: {  	_ =	shalt  }
0x85: {  	_ =	shalt  }
0x86: {  	_ =	shalt  }
0x87: {  	_ =	shalt  }
.Lfunc_end0:
.L_simem_size_0:
called_computation.2_lowered:
.L_overlay_start_0:
0x88: {  	s2 =	sld [smem:$0x3FD9]  }
0x89: {  	s3 =	sld [smem:$0x3FFE];
	_ =	sdelay $0x1  }
0x8a: {  	s1 =	srdreg.scid  }
0x8b: {  	s0 =	sand.u32 $0x1, s1  }
0x8c: {  	s16 =	sshll.u32 s0, $0xA;
	s2 =	sadd.s32 s3, s2  }
0x8d: {  	s2 =	sadd.s32 s2, s16  }
0x8e: {  	[smem:$0x3FC2] =	sst s2  }
0x8f: {  	_ = 	snop  }
0x90: {  	(tm) =	ssettm $0x1  }
0x91: {  	s17 =	sld [smem:$0x3FFB];
	_ =	sdelay $0x3  }
0x92: {  	_ =	strace s17  }
0x93: {  	s2 =	sld [smem:$0x3FFC];
	_ =	sdelay $0x3  }
0x94: {  	_ =	strace s2  }
0x95: {  	s2 =	sld [smem:$0x3FFD];
	_ =	sdelay $0x3  }
0x96: {  	_ =	strace s2  }
0x97: {  	_ =	strace $0x8FFFFFFF  }
0x98: {  	s18 =	sld [smem:$0x3FDB];
	_ =	sdelay $0x1  }
0x99: {  	s19 =	simm.s32 $_scs_section_size  }
0x9a: {  	s4 =	simm.s32 $_size__tile_overlayer_lowered;
	s5 =	simm.s32 $_tile_overlayer_lowered  }
0x9b: {  	s22 =	simm.s32 $0x1BFF;
	s21 =	sshll.u32 s5, $0x1;
	s2 =	sadd.s32 s19, s18  }
0x9c: {  	s6 =	simm.s32 $0x0;
	s20 =	sshll.u32 s4, $0x1;
	s4 =	sadd.s32 s21, s2  }
0x9d: {  	[timem:s6], [sflag:s22] =	dma.local [hbm:s4], s20  }
0x9e: {  	_ =	swait.ge [sflag:s22], s20  }
0x9f: {  	s3 =	ssub.s32 $0x0, s20;
	[sflag:s22] =	ssyncset.done $0x0  }
0xa0: {  	[sflag:s22] =	ssyncadd.s32 s3;
	_ =	sdelay $0x1  }
0xa1: {  	s23 =	simm.s32 $0x1B8B  }
0xa2: {  	_ =	swait.ge [sflag:s23], $0x1  }
0xa3: {  	[sflag:s23] =	ssyncset.done $0x0  }
0xa4: {  	s25 =	simm.s32 $0x1B8E;
	s24 =	sld [smem:$0x3FFE];
	[sflag:s23] =	ssyncadd.s32 $0xFFFFFFFF  }
0xa5: {  	s26 =	simm.s32 $execute0_lowered;
	[smem:$0x3FD2] =	sst s25  }
0xa6: {  	s4 =	sshll.u32 s26, $0x1;
	_ =	strace $0x8000004C;
	[dreg:$0x1] =	wrdreg $0xFFFFFFFF  }
0xa7: {  	s28 =	simm.s32 $_size_execute0_lowered;
	s2 =	sadd.s32 s2, s4;
	[dreg:$0x0] =	wrdreg $0x0  }
0xa8: {  	s4 =	sshll.u32 s28, $0x1;
	[dreg:$0x2] =	wrdreg s2  }
0xa9: {  	[dreg:$0x3] =	wrdreg s4  }
0xaa: {  	[dreg:$0x4] =	wrdreg $0xC0  }
0xab: {  	_ =	task [dreg:s6], $0x5FFFF  }
0xac: {  	[dreg:$0x1] =	wrdreg $0xFFFFFFFF  }
0xad: {  	[dreg:$0x0] =	wrdreg $0x60  }
0xae: {  	[dreg:$0x2] =	wrdreg s24  }
0xaf: {  	[dreg:$0x3] =	wrdreg $0x88000  }
0xb0: {  	[dreg:$0x4] =	wrdreg $0x9  }
0xb1: {  	_ =	task.clear_ibuf [dreg:s6], $0x5FFFF;
	_ =	strace $0x9000004C  }
0xb2: {  	s29 =	simm.s32 $0x9;
	_ =	strace $0x8000004E  }
0xb3: {  	_ =	swait.ge [sflag:s29], $0x1  }
0xb4: {  	[sflag:s29] =	ssyncadd.s32 $0xFFFFFFFF  }
0xb5: {  	_ =	strace $0x9000004E  }
0xb6: {  	_ =	sfence  }
0xb7: {  	s30 =	sld [smem:$0x0];
	_ =	sdelay $0x2  }
0xb8: {  	s31 =	sshll.u32 s1, $0xD;
	s1 =	sshrl.u32 s1, $0x2  }
0xb9: {  	s3 =	sand.u32 $0x4000, s31;
	s1 =	sadd.s32 s1, s30  }
0xba: {  	s0 =	sor.u32 s3, s0;
	s1 =	sshll.u32 s1, $0x11  }
0xbb: {  	s0 =	sor.u32 s1, s0  }
0xbc: {  	s0 =	sadd.s32 $0x8F2B, s0  }
0xbd: {  	[sflag:s0] =	ssyncadd.remote.s32 $0x1  }
0xbe: {  	_ =	sfence.sel $0xFFFF  }
0xbf: {  	[dreg:$0x0] =	wrdreg $0xFFFFFFFF;
	(pc) =	sbr.abs _section_cstart, $3  }
0xc0: {  	[dreg:$0x1] =	wrdreg $0xFFFFFFFF  }
0xc1: {  	_ =	task.clear_ibuf [dreg:s6], $0x2FFFF;
	_ =	strace $0x9FFFFFFF  }
0xc2: {  	(tm) =	ssettm $0x7FFFFFFF  }
0xc3: {  	_ =	shalt  }
tec
execute0_lowered:
.L_overlay_start_1:
0x0: {  	(tag) =	ssettag $0x1  }
0x1: {  	s0 =	rddreg [dreg:$0x0]  }
0x2: {  	s2 =	rddreg [dreg:$0x1];
	s3 =	simm.s32 $0x0;
	s11 =	stileid.u32  }
0x3: {  	s1 =	srdreg.scid;
	s12 =	simm.s32 $0x3;
	s13 =	simm.s32 $0x400  }
0x4: {  	s14 =	simm.s32 $0x80;
	s15 =	simm.s32 $0x800;
	s16 =	simm.s32 $0x4800  }
0x5: {  	s17 =	simm.s32 $0x1;
	s18 =	simm.s32 $0x100;
	s19 =	simm.s32 $0x2  }
0x6: {  	s20 =	simm.s32 $0x480;
	s28 =	simm.s32 $0x300;
	s29 =	simm.s32 $0x680  }
0x7: {  	s30 =	simm.s32 $0x380;
	s31 =	simm.s32 $0x700;
	s5 =	smul.u32 $0x98, s11  }
0x8: {  	[smem:$0x7FF] =	sst s3;
	s1 =	sand.u32 $0x1, s1;
	s6 =	smul.u32 $0x14000, s11  }
0x9: {  	s4 =	sshll.u32 s11, $0x3;
	s10 =	smul.u32 $0x50000, s11;
	s25 =	sshll.u32 s11, $0x6  }
0xa: {  	p0 =	seq.s32 s1, $0x0;
	s7 =	sor.u32 $0x980, s4;
	s8 =	smul.u32 $0x140000, s1  }
0xb: {  	_ =	strace $0x8000004D;
	s4 =	sadd.s32 $0x20C00, s0;
	s22 =	ssub.s32 $0x2, s1  }
0xc: {  	s7 =	smov.u32 @p0 s5;
	s9 =	sshrl.u32 s22, $0x1;
	s24 =	sshrl.u32 s10, $0x2  }
0xd: {  	p0 =	sne.s32 s1, $0x0;
	s1 =	simm.s32 $0x0;
	s5 =	sshll.u32 s7, $0x4  }
0xe: {  	s21 =	sadd.s32 s6, s8;
	s23 =	ssub.s32 s22, s9;
	s6 =	sshrl.u32 s6, $0x3  }
0xf: {  	s8 =	sadd.s32 s24, s2;
	s22 =	simm.s32 $0x500;
	s24 =	simm.s32 $0x580  }
0x10: {  	s7 =	sshrl.u32 s21, $0x3;
	s5 =	sadd.s32 s5, s0;
	s6 =	sadd.s32 s4, s6  }
0x11: {  	s26 =	smax.u32 s23, $0x1;
	s11 =	sshrl.u32 s8, $0x3;
	s21 =	simm.s32 $0x180  }
0x12: {  	s23 =	simm.s32 $0x200;
	s0 =	sadd.s32 s7, s0;
	[dreg:$0x3] =	wrdreg s6  }
0x13: {  	s6 =	sor.u32 $0x1C03, s25;
	[dreg:$0x5] =	wrdreg s26;
	s7 =	sadd.s32 $0xCC00, s5  }
0x14: {  	s5 =	sadd.s32 $0x16C00, s5;
	s25 =	simm.s32 $0x280;
	s0 =	sadd.s32 $0x48C00, s0  }
0x15: {  	s26 =	simm.s32 $0x600;
	[dreg:$0x4] =	wrdreg s0;
	s0 =	simm.s32 $0x780  }
.LBB2_1:
0x16: {  	s8 =	rddreg [dreg:$0x3]  }
0x17: {  	[spmem:s11], [sflag:s6] =	dma.local [hbm:s8], $0x2800  }
0x18: {  	_ =	swait.ge [sflag:s12], $0x2800  }
0x19: {  	[sflag:s12] =	ssyncset.done $0x0  }
0x1a: {  	s10 =	smov.u32 s5;
	[sflag:s12] =	ssyncadd.s32 $0xFFFFD800  }
0x1b: {  	s9 =	smov.u32 s7;
	s8 =	simm.s32 $0x0;
	[bflag:$0x0] =	sbarrier.arrive $0xFFFF  }
.LBB2_2:
0x1c: {  	[tilespmem:s3], [sflag:$0x3] =	stream.linear.gather [hbm4b:s10+s3], $0x400, $0x38;
	[tilespmem:$0x1C800] =	vst v63  }
0x1d: {  	_ =	swait.ge [sflag:s12], $0x400  }
0x1e: {  	[sflag:s12] =	ssyncset.done $0x0  }
0x1f: {  	[sflag:s12] =	ssyncadd.s32 $0xFFFFFC00  }
0x20: {  	[tilespmem:s13], [sflag:$0x3] =	stream.linear.gather [hbm4b:s9+s3], $0x400, $0x38;
	[tilespmem:$0x1C800] =	vst v63  }
0x21: {  	_ =	swait.ge [sflag:s12], $0x400  }
0x22: {  	[sflag:s12] =	ssyncset.done $0x0  }
0x23: {  	[sflag:s12] =	ssyncadd.s32 $0xFFFFFC00  }
0x24: {  	[tilespmem:s15], [sflag:$0x1] =	stream.indirect.gather [hbm4b:s4+s14], $0x80, s3, s14, $0xb8;
	[tilespmem:$0x1C800] =	vst v63  }
0x25: {  	_ = 	snop  }
0x26: {  	[tilespmem:s16], [sflag:$0x2] =	stream.indirect.gather [hbm4b:s4+s14], $0x80, s14, s14, $0xb8;
	[tilespmem:$0x1C800] =	vst v63  }
0x27: {  	_ =	swait.ge [sflag:s17], $0x4000  }
0x28: {  	[sflag:s17] =	ssyncset.done $0x0  }
0x29: {  	[sflag:s17] =	ssyncadd.s32 $0xFFFFC000  }
0x2a: {  	[spmem:s2] =	stream.indirect.scatter.add.f32 [tilespmem:s15], [sflag:$0x3], $0x80, s13, s14, $0xb8;
	[tilespmem:$0x1C800] =	vst v63  }
0x2b: {  	_ =	swait.ge [sflag:s12], $0x4000  }
0x2c: {  	[sflag:s12] =	ssyncset.done $0x0  }
0x2d: {  	[sflag:s12] =	ssyncadd.s32 $0xFFFFC000  }
0x2e: {  	[tilespmem:s15], [sflag:$0x1] =	stream.indirect.gather [hbm4b:s4+s14], $0x80, s18, s14, $0xb8;
	[tilespmem:$0x1C800] =	vst v63  }
0x2f: {  	_ =	swait.ge [sflag:s19], $0x4000  }
0x30: {  	[sflag:s19] =	ssyncset.done $0x0  }
0x31: {  	[sflag:s19] =	ssyncadd.s32 $0xFFFFC000  }
0x32: {  	[spmem:s2] =	stream.indirect.scatter.add.f32 [tilespmem:s16], [sflag:$0x3], $0x80, s20, s14, $0xb8;
	[tilespmem:$0x1C800] =	vst v63  }
0x33: {  	_ =	swait.ge [sflag:s12], $0x4000  }
0x34: {  	[sflag:s12] =	ssyncset.done $0x0  }
0x35: {  	[sflag:s12] =	ssyncadd.s32 $0xFFFFC000  }
0x36: {  	[tilespmem:s16], [sflag:$0x2] =	stream.indirect.gather [hbm4b:s4+s14], $0x80, s21, s14, $0xb8;
	[tilespmem:$0x1C800] =	vst v63  }
0x37: {  	_ =	swait.ge [sflag:s17], $0x4000  }
0x38: {  	[sflag:s17] =	ssyncset.done $0x0  }
0x39: {  	[sflag:s17] =	ssyncadd.s32 $0xFFFFC000  }
0x3a: {  	[spmem:s2] =	stream.indirect.scatter.add.f32 [tilespmem:s15], [sflag:$0x3], $0x80, s22, s14, $0xb8;
	[tilespmem:$0x1C800] =	vst v63  }
0x3b: {  	_ =	swait.ge [sflag:s12], $0x4000  }
0x3c: {  	[sflag:s12] =	ssyncset.done $0x0  }
0x3d: {  	[sflag:s12] =	ssyncadd.s32 $0xFFFFC000  }
0x3e: {  	[tilespmem:s15], [sflag:$0x1] =	stream.indirect.gather [hbm4b:s4+s14], $0x80, s23, s14, $0xb8;
	[tilespmem:$0x1C800] =	vst v63  }
0x3f: {  	_ =	swait.ge [sflag:s19], $0x4000  }
0x40: {  	[sflag:s19] =	ssyncset.done $0x0  }
0x41: {  	[sflag:s19] =	ssyncadd.s32 $0xFFFFC000  }
0x42: {  	[spmem:s2] =	stream.indirect.scatter.add.f32 [tilespmem:s16], [sflag:$0x3], $0x80, s24, s14, $0xb8;
	[tilespmem:$0x1C800] =	vst v63  }
0x43: {  	_ =	swait.ge [sflag:s12], $0x4000  }
0x44: {  	[sflag:s12] =	ssyncset.done $0x0  }
0x45: {  	[sflag:s12] =	ssyncadd.s32 $0xFFFFC000  }
0x46: {  	[tilespmem:s16], [sflag:$0x2] =	stream.indirect.gather [hbm4b:s4+s14], $0x80, s25, s14, $0xb8;
	[tilespmem:$0x1C800] =	vst v63  }
0x47: {  	_ =	swait.ge [sflag:s17], $0x4000  }
0x48: {  	[sflag:s17] =	ssyncset.done $0x0  }
0x49: {  	[sflag:s17] =	ssyncadd.s32 $0xFFFFC000  }
0x4a: {  	[spmem:s2] =	stream.indirect.scatter.add.f32 [tilespmem:s15], [sflag:$0x3], $0x80, s26, s14, $0xb8;
	[tilespmem:$0x1C800] =	vst v63  }
0x4b: {  	_ =	swait.ge [sflag:s12], $0x4000  }
0x4c: {  	[sflag:s12] =	ssyncset.done $0x0  }
0x4d: {  	[sflag:s12] =	ssyncadd.s32 $0xFFFFC000  }
0x4e: {  	[tilespmem:s15], [sflag:$0x1] =	stream.indirect.gather [hbm4b:s4+s14], $0x80, s28, s14, $0xb8;
	[tilespmem:$0x1C800] =	vst v63  }
0x4f: {  	_ =	swait.ge [sflag:s19], $0x4000  }
0x50: {  	[sflag:s19] =	ssyncset.done $0x0  }
0x51: {  	[sflag:s19] =	ssyncadd.s32 $0xFFFFC000  }
0x52: {  	[spmem:s2] =	stream.indirect.scatter.add.f32 [tilespmem:s16], [sflag:$0x3], $0x80, s29, s14, $0xb8;
	[tilespmem:$0x1C800] =	vst v63  }
0x53: {  	_ =	swait.ge [sflag:s12], $0x4000  }
0x54: {  	[sflag:s12] =	ssyncset.done $0x0  }
0x55: {  	[sflag:s12] =	ssyncadd.s32 $0xFFFFC000  }
0x56: {  	[tilespmem:s16], [sflag:$0x2] =	stream.indirect.gather [hbm4b:s4+s14], $0x80, s30, s14, $0xb8;
	[tilespmem:$0x1C800] =	vst v63  }
0x57: {  	_ =	swait.ge [sflag:s17], $0x4000  }
0x58: {  	[sflag:s17] =	ssyncset.done $0x0  }
0x59: {  	[sflag:s17] =	ssyncadd.s32 $0xFFFFC000  }
0x5a: {  	[spmem:s2] =	stream.indirect.scatter.add.f32 [tilespmem:s15], [sflag:$0x3], $0x80, s31, s14, $0xb8;
	[tilespmem:$0x1C800] =	vst v63  }
0x5b: {  	_ =	swait.ge [sflag:s12], $0x4000  }
0x5c: {  	[sflag:s12] =	ssyncset.done $0x0  }
0x5d: {  	[sflag:s12] =	ssyncadd.s32 $0xFFFFC000  }
0x5e: {  	p1 =	slt.u32 @!p0 s8, $0x12;
	_ =	swait.ge [sflag:s19], $0x4000  }
0x5f: {  	p1 =	por p0, !p1;
	[sflag:s19] =	ssyncset.done $0x0  }
.Ltmp0:
0x60: {  	[sflag:s19] =	ssyncadd.s32 $0xFFFFC000;
	(pc) =	sbr.rel @!p1 .LBB2_2-.Ltmp0, $4  }
0x61: {  	[spmem:s2] =	stream.indirect.scatter.add.f32 [tilespmem:s16], [sflag:$0x3], $0x80, s0, s14, $0xb8;
	[tilespmem:$0x1C800] =	vst v63  }
0x62: {  	_ =	swait.ge [sflag:s12], $0x4000  }
0x63: {  	s8 =	sadd.s32 $0x1, s8;
	[sflag:s12] =	ssyncset.done $0x0  }
0x64: {  	s10 =	sadd.s32 $0x80, s10;
	s9 =	sadd.s32 $0x80, s9;
	[sflag:s12] =	ssyncadd.s32 $0xFFFFC000  }
0x65: {  	[bflag:$0x0] =	sbarrier.arrive $0xFFFF  }
0x66: {  	s8 =	rddreg [dreg:$0x4]  }
0x67: {  	[hbm:s8], [sflag:s6] =	dma.local [spmem:s11], $0x2800  }
0x68: {  	_ =	swait.ge [sflag:s12], $0x2800  }
0x69: {  	s1 =	sadd.s32 $0x1, s1;
	s10 =	rddreg [dreg:$0x5]  }
0x6a: {  	p1 =	sne.s32 s1, s10  }
.Ltmp1:
0x6b: {  	_ = 	snop;
	(pc) =	sbr.rel @p1 .LBB2_1-.Ltmp1, $3  }
0x6c: {  	_ =	sdelay $0x1  }
0x6d: {  	[sflag:s12] =	ssyncset.done $0x0  }
0x6e: {  	[sflag:s12] =	ssyncadd.s32 $0xFFFFD800  }
0x6f: {  	_ =	sfence.sel $0x180000  }
0x70: {  	[bflag:$0x0] =	sbarrier.arrive $0xFFFF  }
0x71: {  	_ =	strace $0x9000004D  }
0x72: {  	s0 =	stileid.u32;
	[bflag:$0x2] =	sbarrier.arrive $0xFFFF  }
0x73: {  	p0 =	sne.s32 s0, $0x0;
	s0 =	rddreg [dreg:$0x2]  }
0x74: {  	s0 =	sadd.s32 @!p0 $0x100000, s0  }
0x75: {  	[sflag:s0] =	ssyncadd.tile.s32 @!p0 $0x1;
	_ =	shalt  }
.Lfunc_end2:
_tile_overlayer_lowered:
.L_overlay_start_2:
0x76: {  	(tag) =	ssettag $0x2  }
0x77: {  	s0 =	rddreg [dreg:$0x0];
	s2 =	stileid.u32  }
0x78: {  	s1 =	rddreg [dreg:$0x1];
	p0 =	sne.s32 s2, $0x0  }
0x79: {  	s3 =	rddreg [dreg:$0x2];
	[bflag:$0x3] =	sbarrier.arrive $0xFFFF;
	s2 =	simm.s32 @!p0 $0x1C03  }
0x7a: {  	[timem:s3], [sflag:s2] =	dma.local @!p0 [hbm:s0], s1  }
0x7b: {  	s0 =	simm.s32 @!p0 $0x3  }
0x7c: {  	_ =	swait.ge @!p0 [sflag:s0], s1  }
0x7d: {  	s1 =	ssub.s32 @!p0 $0x0, s1;
	[sflag:s0] =	ssyncset.done @!p0 $0x0  }
0x7e: {  	[sflag:s0] =	ssyncadd.s32 @!p0 s1  }
0x7f: {  	[bflag:$0x3] =	sbarrier.arrive $0xFFFF  }
0x80: {  	_ =	shalt  }

</sc_bundles>
